<compile_context>
chip_gen: v7x
topology: tpu7x:2x2x1
jax: 0.10.2.dev20260603
libtpu: 0.0.44.dev20260713+nightly
codegen_flags: <defaults>
</compile_context>

<pallas_src>
import functools

import jax
import jax.numpy as jnp
from jax import lax
from jax.experimental import pallas as pl
from jax.experimental.pallas import tpu as pltpu
from jax.experimental.pallas import tpu_sc as plsc

_NC = 2
_NS = 16
_NW = _NC * _NS
_L = 16


def _matmul_bias_kernel(x_ref, w_ref, b_ref, o_ref):
    o_ref[...] = (
        jnp.dot(x_ref[...], w_ref[...], preferred_element_type=jnp.float32)
        + b_ref[...]
    )


def _emb_kernel(xt_ref, w_ref, b_ref, nrm_ref, o_ref, nb_ref):
    o_ref[...] = lax.dot_general(
        xt_ref[...], w_ref[...], (((0,), (0,)), ((), ())),
        preferred_element_type=jnp.float32) + b_ref[...]
    ncol = jnp.transpose(nrm_ref[...], (1, 0))
    nb_ref[...] = jnp.broadcast_to(ncol, nb_ref.shape)


def _edge_emb(ef_t, w_edge, b_edge, norm_r, block_rows):
    k, m = ef_t.shape
    _, dout = w_edge.shape
    assert m % block_rows == 0 and block_rows % 128 == 0
    return pl.pallas_call(
        _emb_kernel,
        grid=(m // block_rows,),
        in_specs=[
            pl.BlockSpec((k, block_rows), lambda i: (0, i)),
            pl.BlockSpec((k, dout), lambda i: (0, 0)),
            pl.BlockSpec((1, dout), lambda i: (0, 0)),
            pl.BlockSpec((1, block_rows), lambda i: (0, i)),
        ],
        out_specs=[
            pl.BlockSpec((block_rows, dout), lambda i: (i, 0)),
            pl.BlockSpec((block_rows, _L), lambda i: (i, 0)),
        ],
        out_shape=[
            jax.ShapeDtypeStruct((m, dout), jnp.float32),
            jax.ShapeDtypeStruct((m, _L), jnp.float32),
        ],
    )(ef_t, w_edge, b_edge.reshape(1, dout), norm_r)


def _matmul_bias(x, w, b, block_rows):
    m, k = x.shape
    _, dout = w.shape
    assert m % block_rows == 0
    return pl.pallas_call(
        _matmul_bias_kernel,
        grid=(m // block_rows,),
        in_specs=[
            pl.BlockSpec((block_rows, k), lambda i: (i, 0)),
            pl.BlockSpec((k, dout), lambda i: (0, 0)),
            pl.BlockSpec((1, dout), lambda i: (0, 0)),
        ],
        out_specs=pl.BlockSpec((block_rows, dout), lambda i: (i, 0)),
        out_shape=jax.ShapeDtypeStruct((m, dout), jnp.float32),
    )(x, w, b.reshape(1, dout))


def _combine_kernel(p0_ref, p1_ref, h_ref, d_ref, r_ref, o_ref):
    self_term = jnp.maximum(h_ref[...] + r_ref[...], 0.0) / d_ref[...]
    o_ref[...] = p0_ref[0] + p1_ref[0] + self_term


def _combine(partial, h, degs2d, root_w, block_rows):
    n, d = h.shape
    assert n % block_rows == 0
    return pl.pallas_call(
        _combine_kernel,
        grid=(n // block_rows,),
        in_specs=[
            pl.BlockSpec((1, block_rows, d), lambda i: (0, i, 0)),
            pl.BlockSpec((1, block_rows, d), lambda i: (1, i, 0)),
            pl.BlockSpec((block_rows, d), lambda i: (i, 0)),
            pl.BlockSpec((block_rows, 1), lambda i: (i, 0)),
            pl.BlockSpec((1, d), lambda i: (0, 0)),
        ],
        out_specs=pl.BlockSpec((block_rows, d), lambda i: (i, 0)),
        out_shape=jax.ShapeDtypeStruct((n, d), jnp.float32),
    )(partial, partial, h, degs2d, root_w)


def _sc_edge_aggregate(h, emb, normb, src, dst):
    n, d = h.shape
    e = src.shape[0]
    C = 40
    ew = e // _NW
    n_chunks = ew // C
    assert ew % C == 0 and e % _NW == 0
    BR = 40
    nblk = n // BR
    assert n % BR == 0
    njd = d // _L

    NB = 3
    n_groups = (n_chunks + NB - 1) // NB

    mesh = plsc.VectorSubcoreMesh(core_axis_name="c", subcore_axis_name="s")

    scratch = (
        [pltpu.VMEM((C,), jnp.int32) for _ in range(NB)]
        + [pltpu.VMEM((C,), jnp.int32) for _ in range(NB)]
        + [pltpu.VMEM((C, _L), jnp.float32) for _ in range(NB)]
        + [pltpu.VMEM((C, d), jnp.float32) for _ in range(NB)]
        + [pltpu.VMEM((C, d), jnp.float32) for _ in range(NB)]
        + [pltpu.VMEM_SHARED((n, d), jnp.float32)]
        + [pltpu.SemaphoreType.DMA for _ in range(3 * NB)]
    )

    @functools.partial(
        pl.kernel,
        out_type=jax.ShapeDtypeStruct((_NC, n, d), jnp.float32),
        mesh=mesh,
        scratch_types=scratch,
    )
    def k(h_hbm, emb_hbm, norm_hbm, src_hbm, dst_hbm, out_hbm, *refs):
        src_v = refs[0:NB]
        dst_v = refs[NB:2 * NB]
        norm_v = refs[2 * NB:3 * NB]
        rows_v = refs[3 * NB:4 * NB]
        emb_v = refs[4 * NB:5 * NB]
        zero_v = refs[3 * NB]
        acc_sh = refs[5 * NB]
        in_sem = refs[5 * NB + 1:5 * NB + 1 + NB]
        gat_sem = refs[5 * NB + 1 + NB:5 * NB + 1 + 2 * NB]
        sct_sem = refs[5 * NB + 1 + 2 * NB:5 * NB + 1 + 3 * NB]

        cid = lax.axis_index("c")
        sid = lax.axis_index("s")

        def zrow(r, carry):
            for j in range(njd):
                zero_v[r, pl.ds(j * _L, _L)] = jnp.zeros((_L,), jnp.float32)
            return carry
        lax.fori_loop(0, BR, zrow, 0)
        my_blocks = nblk // _NS + jnp.where(sid < nblk % _NS, 1, 0)

        def zblk(b, carry):
            row = (b * _NS + sid) * BR
            pltpu.sync_copy(zero_v, acc_sh.at[pl.ds(row, BR), :])
            return carry
        lax.fori_loop(0, my_blocks, zblk, 0)
        plsc.subcore_barrier()

        wid = cid * _NS + sid

        def fire_inputs(ci, b):
            ebase = (ci * _NW + wid) * C
            pltpu.async_copy(src_hbm.at[pl.ds(ebase, C)], src_v[b], in_sem[b])
            pltpu.async_copy(dst_hbm.at[pl.ds(ebase, C)], dst_v[b], in_sem[b])
            pltpu.async_copy(norm_hbm.at[pl.ds(ebase, C), :], norm_v[b],
                             in_sem[b])
            pltpu.async_copy(emb_hbm.at[pl.ds(ebase, C), :], emb_v[b],
                             in_sem[b])

        def wait_inputs(b):
            pltpu.make_async_copy(src_hbm.at[pl.ds(0, C)], src_v[b],
                                  in_sem[b]).wait()
            pltpu.make_async_copy(dst_hbm.at[pl.ds(0, C)], dst_v[b],
                                  in_sem[b]).wait()
            pltpu.make_async_copy(norm_hbm.at[pl.ds(0, C), :], norm_v[b],
                                  in_sem[b]).wait()
            pltpu.make_async_copy(emb_hbm.at[pl.ds(0, C), :], emb_v[b],
                                  in_sem[b]).wait()

        def fire_gather(b):
            pltpu.async_copy(h_hbm.at[src_v[b]], rows_v[b], gat_sem[b])

        def wait_scatter(b):
            pltpu.make_async_copy(rows_v[b], acc_sh.at[dst_v[b]],
                                  sct_sem[b]).wait()

        for b in range(NB - 1):
            fire_inputs(b, b)
        wait_inputs(0)
        fire_gather(0)

        def group(g, carry):
            for b in range(NB):
                ci = g * NB + b
                bpre = (b + NB - 1) % NB
                jc = ci + NB - 1

                @pl.when(jc < n_chunks)
                def _():
                    @pl.when(jc >= NB)
                    def _():
                        wait_scatter(bpre)
                    fire_inputs(jc, bpre)

                @pl.when(ci < n_chunks)
                def _():
                    pltpu.make_async_copy(h_hbm.at[src_v[b]], rows_v[b],
                                          gat_sem[b]).wait()

                    def edge(ei, ecarry):
                        nv = norm_v[b][ei, :]
                        for j in range(njd):
                            sl = pl.ds(j * _L, _L)
                            rows_v[b][ei, sl] = jnp.maximum(
                                rows_v[b][ei, sl] + emb_v[b][ei, sl], 0.0) * nv
                        return ecarry
                    lax.fori_loop(0, C, edge, 0)

                    pltpu.async_copy(rows_v[b], acc_sh.at[dst_v[b]],
                                     sct_sem[b], add=True)

                    bnx = (b + 1) % NB

                    @pl.when(ci + 1 < n_chunks)
                    def _():
                        wait_inputs(bnx)
                        fire_gather(bnx)
            return carry
        lax.fori_loop(0, n_groups, group, 0)

        for b in range(NB):
            wait_scatter(b)
        plsc.subcore_barrier()

        def wblk(b, carry):
            row = (b * _NS + sid) * BR
            pltpu.sync_copy(acc_sh.at[pl.ds(row, BR), :],
                            out_hbm.at[cid, pl.ds(row, BR), :])
            return carry
        lax.fori_loop(0, my_blocks, wblk, 0)

    return k(h, emb, normb, src, dst)


def kernel(nfeat, efeat, degs, norm, edge_index, W_lin, b_lin, W_edge, b_edge,
           root_w):
    n, d = nfeat.shape

    h = _matmul_bias(nfeat, W_lin, b_lin, block_rows=1000)
    e = efeat.shape[0]
    emb, normb = _edge_emb(efeat.T, W_edge, b_edge,
                           norm.reshape(1, e), block_rows=6400)

    src = edge_index[0]
    dst = edge_index[1]
    partial = _sc_edge_aggregate(h, emb, normb, src, dst)

    return _combine(partial, h, degs.reshape(n, 1), root_w, block_rows=1000)

# --- scband reference (transcript-rebuilt; emitter-appended) ---
"""Pipeline reference for scband-graph-conv-20864951124336 (READ-ONLY COPY).

The authoritative reference and input builder live on the scoring server;
editing this copy changes nothing except your own understanding.
"""

import jax, jax.numpy as jnp
import numpy as np

N = 10000
E = 320000
D = 128
D_EDGE = 7


def setup_inputs(seed: int = 0) -> dict:
    key = jax.random.key(seed)
    ks = jax.random.split(key, 10)
    nfeat = jax.random.normal(ks[0], (N, D), dtype=jnp.float32)
    efeat = jax.random.normal(ks[1], (E, D_EDGE), dtype=jnp.float32)
    # degrees: uniform in [1, 64) to avoid division blow-up (fill=rand, shifted into valid degree range)
    degs = jax.random.uniform(ks[2], (N,), dtype=jnp.float32, minval=1.0, maxval=64.0)
    norm = jax.random.uniform(ks[3], (E, 1), dtype=jnp.float32)
    edge_index = jax.random.randint(ks[4], (2, E), 0, N, dtype=jnp.int32)
    # learned parameters (nn.Linear(feats, feats), nn.Embedding(1, feats), nn.Linear(7, feats))
    W_lin = jax.random.normal(ks[5], (D, D), dtype=jnp.float32) * (1.0 / np.sqrt(D))
    b_lin = jnp.zeros((D,), dtype=jnp.float32)
    W_edge = jax.random.normal(ks[6], (D_EDGE, D), dtype=jnp.float32) * (1.0 / np.sqrt(D_EDGE))
    b_edge = jnp.zeros((D,), dtype=jnp.float32)
    root_w = jax.random.normal(ks[7], (1, D), dtype=jnp.float32)
    return {
        "nfeat": nfeat,
        "efeat": efeat,
        "degs": degs,
        "norm": norm,
        "edge_index": edge_index,
        "W_lin": W_lin,
        "b_lin": b_lin,
        "W_edge": W_edge,
        "b_edge": b_edge,
        "root_w": root_w,
    }


def reference(nfeat, efeat, degs, norm, edge_index, W_lin, b_lin, W_edge, b_edge, root_w):
    # nfeat = self.linear(nfeat)
    h = nfeat @ W_lin + b_lin
    # edge_embedding = self.edge_encoder(efeat)
    edge_embedding = efeat @ W_edge + b_edge
    src = edge_index[0]
    dst = edge_index[1]
    # graph.apply_edges(fn.copy_src('h','e')): gather source node features onto edges
    e = h[src]
    # graph.edata['e'] = norm * relu(e + edge_embedding)
    e = norm * jax.nn.relu(e + edge_embedding)
    # update_all(copy_edge -> sum): scatter-add edge messages to destination nodes
    ft = jnp.zeros((N, D), dtype=h.dtype).at[dst].add(e)
    # rst = ft + relu(h + root_emb.weight) * 1.0 / degs.view(-1, 1)
    rst = ft + jax.nn.relu(h + root_w) * (1.0 / degs[:, None])
    return rst

if __name__ == "__main__":
    import jax
    _d = setup_inputs()
    print(jax.jit(kernel)(*tuple(_d.values())))

</pallas_src>

<mosaic_0001>
#map = affine_map<(d0, d1) -> (0, 0)>
#map1 = affine_map<(d0, d1) -> (0)>
#map2 = affine_map<(d0, d1) -> (0, 0, 0)>
module attributes {stable_mosaic.version = 14 : i64} {
  func.func @k(%arg0: i32, %arg1: i32, %arg2: memref<10000x128xf32, #tpu.memory_space<hbm>>, %arg3: memref<320000x128xf32, #tpu.memory_space<hbm>>, %arg4: memref<320000x16xf32, #tpu.memory_space<hbm>>, %arg5: memref<320000xi32, #tpu.memory_space<hbm>>, %arg6: memref<320000xi32, #tpu.memory_space<hbm>>, %arg7: memref<2x10000x128xf32, #tpu.memory_space<hbm>>, %arg8: memref<40xi32, #tpu.memory_space<vmem>>, %arg9: memref<40xi32, #tpu.memory_space<vmem>>, %arg10: memref<40xi32, #tpu.memory_space<vmem>>, %arg11: memref<40xi32, #tpu.memory_space<vmem>>, %arg12: memref<40xi32, #tpu.memory_space<vmem>>, %arg13: memref<40xi32, #tpu.memory_space<vmem>>, %arg14: memref<40x16xf32, #tpu.memory_space<vmem>>, %arg15: memref<40x16xf32, #tpu.memory_space<vmem>>, %arg16: memref<40x16xf32, #tpu.memory_space<vmem>>, %arg17: memref<40x128xf32, #tpu.memory_space<vmem>>, %arg18: memref<40x128xf32, #tpu.memory_space<vmem>>, %arg19: memref<40x128xf32, #tpu.memory_space<vmem>>, %arg20: memref<40x128xf32, #tpu.memory_space<vmem>>, %arg21: memref<40x128xf32, #tpu.memory_space<vmem>>, %arg22: memref<40x128xf32, #tpu.memory_space<vmem>>, %arg23: memref<10000x128xf32, #tpu.memory_space<vmem_shared>>, %arg24: memref<!tpu.dma_semaphore, #tpu.memory_space<semaphore_mem>>, %arg25: memref<!tpu.dma_semaphore, #tpu.memory_space<semaphore_mem>>, %arg26: memref<!tpu.dma_semaphore, #tpu.memory_space<semaphore_mem>>, %arg27: memref<!tpu.dma_semaphore, #tpu.memory_space<semaphore_mem>>, %arg28: memref<!tpu.dma_semaphore, #tpu.memory_space<semaphore_mem>>, %arg29: memref<!tpu.dma_semaphore, #tpu.memory_space<semaphore_mem>>, %arg30: memref<!tpu.dma_semaphore, #tpu.memory_space<semaphore_mem>>, %arg31: memref<!tpu.dma_semaphore, #tpu.memory_space<semaphore_mem>>, %arg32: memref<!tpu.dma_semaphore, #tpu.memory_space<semaphore_mem>>) attributes {dimension_semantics = [#tpu.dimension_semantics<core_parallel>, #tpu.dimension_semantics<subcore_parallel>], iteration_bounds = array<i64: 2, 16>, scalar_prefetch = 0 : i64, scratch_operands = 25 : i64, tpu.core_type = #tpu.core_type<sc_vector_subcore>, window_params = [{transform_indices = #map}, {transform_indices = #map}, {transform_indices = #map}, {transform_indices = #map1}, {transform_indices = #map1}, {transform_indices = #map2}]} {
    %scan3A = arith.constant 0 : i32
    %scan3A_0 = arith.constant 0 : i32
    %scan3A_1 = arith.constant 40 : i32
    %scan3A_2 = arith.addi %scan3A_0, %scan3A_1 : i32
    %scan3A_3 = arith.constant 1 : i32
    scf.for %scan3A_98 = %scan3A_0 to %scan3A_2 step %scan3A_3  : i32 {
      %broadcast_in_dim3A = arith.constant 0.000000e+00 : f32
      %broadcast_in_dim3A_99 = vector.broadcast %broadcast_in_dim3A : f32 to vector<16xf32>
      %swap3A = arith.index_cast %scan3A_98 : i32 to index
      %swap3A_100 = arith.constant 0 : index
      %swap3A_101 = tpu.vector_load %arg17[%swap3A, %swap3A_100] {strides = array<i32>} : memref<40x128xf32, #tpu.memory_space<vmem>>, vector<1x16xf32>,
      %swap3A_102 = vector.shape_cast %swap3A_101 : vector<1x16xf32> to vector<16xf32>
      %swap3A_103 = vector.shape_cast %broadcast_in_dim3A_99 : vector<16xf32> to vector<1x16xf32>
      tpu.vector_store %arg17[%swap3A, %swap3A_100], %swap3A_103 {strides = array<i32>} : memref<40x128xf32, #tpu.memory_space<vmem>>, vector<1x16xf32>,
      %broadcast_in_dim3A_104 = arith.constant 0.000000e+00 : f32
      %broadcast_in_dim3A_105 = vector.broadcast %broadcast_in_dim3A_104 : f32 to vector<16xf32>
      %swap3A_106 = arith.index_cast %scan3A_98 : i32 to index
      %swap3A_107 = arith.constant 16 : index
      %swap3A_108 = tpu.vector_load %arg17[%swap3A_106, %swap3A_107] {strides = array<i32>} : memref<40x128xf32, #tpu.memory_space<vmem>>, vector<1x16xf32>,
      %swap3A_109 = vector.shape_cast %swap3A_108 : vector<1x16xf32> to vector<16xf32>
      %swap3A_110 = vector.shape_cast %broadcast_in_dim3A_105 : vector<16xf32> to vector<1x16xf32>
      tpu.vector_store %arg17[%swap3A_106, %swap3A_107], %swap3A_110 {strides = array<i32>} : memref<40x128xf32, #tpu.memory_space<vmem>>, vector<1x16xf32>,
      %broadcast_in_dim3A_111 = arith.constant 0.000000e+00 : f32
      %broadcast_in_dim3A_112 = vector.broadcast %broadcast_in_dim3A_111 : f32 to vector<16xf32>
      %swap3A_113 = arith.index_cast %scan3A_98 : i32 to index
      %swap3A_114 = arith.constant 32 : index
      %swap3A_115 = tpu.vector_load %arg17[%swap3A_113, %swap3A_114] {strides = array<i32>} : memref<40x128xf32, #tpu.memory_space<vmem>>, vector<1x16xf32>,
      %swap3A_116 = vector.shape_cast %swap3A_115 : vector<1x16xf32> to vector<16xf32>
      %swap3A_117 = vector.shape_cast %broadcast_in_dim3A_112 : vector<16xf32> to vector<1x16xf32>
      tpu.vector_store %arg17[%swap3A_113, %swap3A_114], %swap3A_117 {strides = array<i32>} : memref<40x128xf32, #tpu.memory_space<vmem>>, vector<1x16xf32>,
      %broadcast_in_dim3A_118 = arith.constant 0.000000e+00 : f32
      %broadcast_in_dim3A_119 = vector.broadcast %broadcast_in_dim3A_118 : f32 to vector<16xf32>
      %swap3A_120 = arith.index_cast %scan3A_98 : i32 to index
      %swap3A_121 = arith.constant 48 : index
      %swap3A_122 = tpu.vector_load %arg17[%swap3A_120, %swap3A_121] {strides = array<i32>} : memref<40x128xf32, #tpu.memory_space<vmem>>, vector<1x16xf32>,
      %swap3A_123 = vector.shape_cast %swap3A_122 : vector<1x16xf32> to vector<16xf32>
      %swap3A_124 = vector.shape_cast %broadcast_in_dim3A_119 : vector<16xf32> to vector<1x16xf32>
      tpu.vector_store %arg17[%swap3A_120, %swap3A_121], %swap3A_124 {strides = array<i32>} : memref<40x128xf32, #tpu.memory_space<vmem>>, vector<1x16xf32>,
      %broadcast_in_dim3A_125 = arith.constant 0.000000e+00 : f32
      %broadcast_in_dim3A_126 = vector.broadcast %broadcast_in_dim3A_125 : f32 to vector<16xf32>
      %swap3A_127 = arith.index_cast %scan3A_98 : i32 to index
      %swap3A_128 = arith.constant 64 : index
      %swap3A_129 = tpu.vector_load %arg17[%swap3A_127, %swap3A_128] {strides = array<i32>} : memref<40x128xf32, #tpu.memory_space<vmem>>, vector<1x16xf32>,
      %swap3A_130 = vector.shape_cast %swap3A_129 : vector<1x16xf32> to vector<16xf32>
      %swap3A_131 = vector.shape_cast %broadcast_in_dim3A_126 : vector<16xf32> to vector<1x16xf32>
      tpu.vector_store %arg17[%swap3A_127, %swap3A_128], %swap3A_131 {strides = array<i32>} : memref<40x128xf32, #tpu.memory_space<vmem>>, vector<1x16xf32>,
      %broadcast_in_dim3A_132 = arith.constant 0.000000e+00 : f32
      %broadcast_in_dim3A_133 = vector.broadcast %broadcast_in_dim3A_132 : f32 to vector<16xf32>
      %swap3A_134 = arith.index_cast %scan3A_98 : i32 to index
      %swap3A_135 = arith.constant 80 : index
      %swap3A_136 = tpu.vector_load %arg17[%swap3A_134, %swap3A_135] {strides = array<i32>} : memref<40x128xf32, #tpu.memory_space<vmem>>, vector<1x16xf32>,
      %swap3A_137 = vector.shape_cast %swap3A_136 : vector<1x16xf32> to vector<16xf32>
      %swap3A_138 = vector.shape_cast %broadcast_in_dim3A_133 : vector<16xf32> to vector<1x16xf32>
      tpu.vector_store %arg17[%swap3A_134, %swap3A_135], %swap3A_138 {strides = array<i32>} : memref<40x128xf32, #tpu.memory_space<vmem>>, vector<1x16xf32>,
      %broadcast_in_dim3A_139 = arith.constant 0.000000e+00 : f32
      %broadcast_in_dim3A_140 = vector.broadcast %broadcast_in_dim3A_139 : f32 to vector<16xf32>
      %swap3A_141 = arith.index_cast %scan3A_98 : i32 to index
      %swap3A_142 = arith.constant 96 : index
      %swap3A_143 = tpu.vector_load %arg17[%swap3A_141, %swap3A_142] {strides = array<i32>} : memref<40x128xf32, #tpu.memory_space<vmem>>, vector<1x16xf32>,
      %swap3A_144 = vector.shape_cast %swap3A_143 : vector<1x16xf32> to vector<16xf32>
      %swap3A_145 = vector.shape_cast %broadcast_in_dim3A_140 : vector<16xf32> to vector<1x16xf32>
      tpu.vector_store %arg17[%swap3A_141, %swap3A_142], %swap3A_145 {strides = array<i32>} : memref<40x128xf32, #tpu.memory_space<vmem>>, vector<1x16xf32>,
      %broadcast_in_dim3A_146 = arith.constant 0.000000e+00 : f32
      %broadcast_in_dim3A_147 = vector.broadcast %broadcast_in_dim3A_146 : f32 to vector<16xf32>
      %swap3A_148 = arith.index_cast %scan3A_98 : i32 to index
      %swap3A_149 = arith.constant 112 : index
      %swap3A_150 = tpu.vector_load %arg17[%swap3A_148, %swap3A_149] {strides = array<i32>} : memref<40x128xf32, #tpu.memory_space<vmem>>, vector<1x16xf32>,
      %swap3A_151 = vector.shape_cast %swap3A_150 : vector<1x16xf32> to vector<16xf32>
      %swap3A_152 = vector.shape_cast %broadcast_in_dim3A_147 : vector<16xf32> to vector<1x16xf32>
      tpu.vector_store %arg17[%swap3A_148, %swap3A_149], %swap3A_152 {strides = array<i32>} : memref<40x128xf32, #tpu.memory_space<vmem>>, vector<1x16xf32>,
    }
    %scan3A_4 = arith.constant 40 : i32
    %lt3A = arith.constant 10 : i32
    %lt3A_5 = arith.cmpi slt, %arg1, %lt3A : i32
    %jit3A = arith.constant 1 : i32
    %jit3A_6 = arith.constant 0 : i32
    %select_n3A = arith.select %lt3A_5, %jit3A, %jit3A_6 : i32
    %add3A = arith.constant 15 : i32
    %add3A_7 = arith.addi %add3A, %select_n3A : i32
    %while3A = arith.constant 0 : i32
    %while3A_8 = arith.constant 0 : i32
    %while3A_9 = arith.subi %add3A_7, %while3A_8 : i32
    %while3A_10 = arith.addi %while3A_8, %while3A_9 : i32
    %while3A_11 = arith.constant 1 : i32
    %while3A_12 = arith.divsi %while3A_9, %while3A_11 : i32
    %while3A_13 = arith.muli %while3A_12, %while3A_11 : i32
    %while3A_14 = arith.addi %while3A_8, %while3A_13 : i32
    %while3A_15 = arith.constant 1 : i32
    scf.for %while3A_98 = %while3A_8 to %while3A_14 step %while3A_15  : i32 {
      %mul3A_99 = arith.constant 16 : i32
      %mul3A_100 = arith.muli %while3A_98, %mul3A_99 : i32
      %add3A_101 = arith.addi %mul3A_100, %arg1 : i32
      %mul3A_102 = arith.constant 40 : i32
      %mul3A_103 = arith.muli %add3A_101, %mul3A_102 : i32
      "tpu.region"() ({
        %run_scoped3A = tpu.sem_alloc : memref<!tpu.dma_semaphore, #tpu.memory_space<semaphore_mem>>
        %dma_start3A_104 = arith.constant 0 : i32
        %dma_start3A_105 = tpu.memref_slice %arg23[%mul3A_103, %dma_start3A_104] : memref<10000x128xf32, #tpu.memory_space<vmem_shared>> -> memref<40x128xf32, #tpu.memory_space<vmem_shared>>
        %dma_start3A_106 = arith.constant 0 : i32
        %dma_start3A_107 = tpu.memref_slice %arg23[%mul3A_103, %dma_start3A_106] : memref<10000x128xf32, #tpu.memory_space<vmem_shared>> -> memref<40x128xf32, #tpu.memory_space<vmem_shared>>
        tpu.enqueue_dma source(%arg17 : memref<40x128xf32, #tpu.memory_space<vmem>>) target(%dma_start3A_107 : memref<40x128xf32, #tpu.memory_space<vmem_shared>>) target_semaphore(%run_scoped3A : memref<!tpu.dma_semaphore, #tpu.memory_space<semaphore_mem>>)
        %dma_wait3A_108 = arith.constant 0 : i32
        %dma_wait3A_109 = tpu.memref_slice %arg23[%mul3A_103, %dma_wait3A_108] : memref<10000x128xf32, #tpu.memory_space<vmem_shared>> -> memref<40x128xf32, #tpu.memory_space<vmem_shared>>
        %dma_wait3A_110 = arith.constant 0 : i32
        %dma_wait3A_111 = tpu.memref_slice %arg23[%mul3A_103, %dma_wait3A_110] : memref<10000x128xf32, #tpu.memory_space<vmem_shared>> -> memref<40x128xf32, #tpu.memory_space<vmem_shared>>
        tpu.wait_dma2 semaphore(%run_scoped3A : memref<!tpu.dma_semaphore, #tpu.memory_space<semaphore_mem>>) src(%arg17 : memref<40x128xf32, #tpu.memory_space<vmem>>) dst(%dma_wait3A_111 : memref<40x128xf32, #tpu.memory_space<vmem_shared>>)
        tpu.yield
      }) : () -> ()
    }
    %while3A_16 = arith.constant 1 : i32
    scf.for %while3A_98 = %while3A_14 to %while3A_10 step %while3A_16  : i32 {
      %mul3A_99 = arith.constant 16 : i32
      %mul3A_100 = arith.muli %while3A_98, %mul3A_99 : i32
      %add3A_101 = arith.addi %mul3A_100, %arg1 : i32
      %mul3A_102 = arith.constant 40 : i32
      %mul3A_103 = arith.muli %add3A_101, %mul3A_102 : i32
      "tpu.region"() ({
        %run_scoped3A = tpu.sem_alloc : memref<!tpu.dma_semaphore, #tpu.memory_space<semaphore_mem>>
        %dma_start3A_104 = arith.constant 0 : i32
        %dma_start3A_105 = tpu.memref_slice %arg23[%mul3A_103, %dma_start3A_104] : memref<10000x128xf32, #tpu.memory_space<vmem_shared>> -> memref<40x128xf32, #tpu.memory_space<vmem_shared>>
        %dma_start3A_106 = arith.constant 0 : i32
        %dma_start3A_107 = tpu.memref_slice %arg23[%mul3A_103, %dma_start3A_106] : memref<10000x128xf32, #tpu.memory_space<vmem_shared>> -> memref<40x128xf32, #tpu.memory_space<vmem_shared>>
        tpu.enqueue_dma source(%arg17 : memref<40x128xf32, #tpu.memory_space<vmem>>) target(%dma_start3A_107 : memref<40x128xf32, #tpu.memory_space<vmem_shared>>) target_semaphore(%run_scoped3A : memref<!tpu.dma_semaphore, #tpu.memory_space<semaphore_mem>>)
        %dma_wait3A_108 = arith.constant 0 : i32
        %dma_wait3A_109 = tpu.memref_slice %arg23[%mul3A_103, %dma_wait3A_108] : memref<10000x128xf32, #tpu.memory_space<vmem_shared>> -> memref<40x128xf32, #tpu.memory_space<vmem_shared>>
        %dma_wait3A_110 = arith.constant 0 : i32
        %dma_wait3A_111 = tpu.memref_slice %arg23[%mul3A_103, %dma_wait3A_110] : memref<10000x128xf32, #tpu.memory_space<vmem_shared>> -> memref<40x128xf32, #tpu.memory_space<vmem_shared>>
        tpu.wait_dma2 semaphore(%run_scoped3A : memref<!tpu.dma_semaphore, #tpu.memory_space<semaphore_mem>>) src(%arg17 : memref<40x128xf32, #tpu.memory_space<vmem>>) dst(%dma_wait3A_111 : memref<40x128xf32, #tpu.memory_space<vmem_shared>>)
        tpu.yield
      }) : () -> ()
    }
    %barrier3A = arith.constant 0 : index
    tpu.barrier barrier_id(%barrier3A)
    %mul3A = arith.constant 16 : i32
    %mul3A_17 = arith.muli %arg0, %mul3A : i32
    %add3A_18 = arith.addi %mul3A_17, %arg1 : i32
    %add3A_19 = arith.constant 0 : i32
    %add3A_20 = arith.addi %add3A_19, %add3A_18 : i32
    %mul3A_21 = arith.constant 40 : i32
    %mul3A_22 = arith.muli %add3A_20, %mul3A_21 : i32
    %dma_start3A = tpu.memref_slice %arg5[%mul3A_22] : memref<320000xi32, #tpu.memory_space<hbm>> -> memref<40xi32, #tpu.memory_space<hbm>>
    %dma_start3A_23 = tpu.memref_slice %arg5[%mul3A_22] : memref<320000xi32, #tpu.memory_space<hbm>> -> memref<40xi32, #tpu.memory_space<hbm>>
    tpu.enqueue_dma source(%dma_start3A_23 : memref<40xi32, #tpu.memory_space<hbm>>) target(%arg8 : memref<40xi32, #tpu.memory_space<vmem>>) target_semaphore(%arg24 : memref<!tpu.dma_semaphore, #tpu.memory_space<semaphore_mem>>)
    %dma_start3A_24 = tpu.memref_slice %arg6[%mul3A_22] : memref<320000xi32, #tpu.memory_space<hbm>> -> memref<40xi32, #tpu.memory_space<hbm>>
    %dma_start3A_25 = tpu.memref_slice %arg6[%mul3A_22] : memref<320000xi32, #tpu.memory_space<hbm>> -> memref<40xi32, #tpu.memory_space<hbm>>
    tpu.enqueue_dma source(%dma_start3A_25 : memref<40xi32, #tpu.memory_space<hbm>>) target(%arg11 : memref<40xi32, #tpu.memory_space<vmem>>) target_semaphore(%arg24 : memref<!tpu.dma_semaphore, #tpu.memory_space<semaphore_mem>>)
    %dma_start3A_26 = arith.constant 0 : i32
    %dma_start3A_27 = tpu.memref_slice %arg4[%mul3A_22, %dma_start3A_26] : memref<320000x16xf32, #tpu.memory_space<hbm>> -> memref<40x16xf32, #tpu.memory_space<hbm>>
    %dma_start3A_28 = arith.constant 0 : i32
    %dma_start3A_29 = tpu.memref_slice %arg4[%mul3A_22, %dma_start3A_28] : memref<320000x16xf32, #tpu.memory_space<hbm>> -> memref<40x16xf32, #tpu.memory_space<hbm>>
    tpu.enqueue_dma source(%dma_start3A_29 : memref<40x16xf32, #tpu.memory_space<hbm>>) target(%arg14 : memref<40x16xf32, #tpu.memory_space<vmem>>) target_semaphore(%arg24 : memref<!tpu.dma_semaphore, #tpu.memory_space<semaphore_mem>>)
    %dma_start3A_30 = arith.constant 0 : i32
    %dma_start3A_31 = tpu.memref_slice %arg3[%mul3A_22, %dma_start3A_30] : memref<320000x128xf32, #tpu.memory_space<hbm>> -> memref<40x128xf32, #tpu.memory_space<hbm>>
    %dma_start3A_32 = arith.constant 0 : i32
    %dma_start3A_33 = tpu.memref_slice %arg3[%mul3A_22, %dma_start3A_32] : memref<320000x128xf32, #tpu.memory_space<hbm>> -> memref<40x128xf32, #tpu.memory_space<hbm>>
    tpu.enqueue_dma source(%dma_start3A_33 : memref<40x128xf32, #tpu.memory_space<hbm>>) target(%arg20 : memref<40x128xf32, #tpu.memory_space<vmem>>) target_semaphore(%arg24 : memref<!tpu.dma_semaphore, #tpu.memory_space<semaphore_mem>>)
    %add3A_34 = arith.constant 32 : i32
    %add3A_35 = arith.addi %add3A_34, %add3A_18 : i32
    %mul3A_36 = arith.constant 40 : i32
    %mul3A_37 = arith.muli %add3A_35, %mul3A_36 : i32
    %dma_start3A_38 = tpu.memref_slice %arg5[%mul3A_37] : memref<320000xi32, #tpu.memory_space<hbm>> -> memref<40xi32, #tpu.memory_space<hbm>>
    %dma_start3A_39 = tpu.memref_slice %arg5[%mul3A_37] : memref<320000xi32, #tpu.memory_space<hbm>> -> memref<40xi32, #tpu.memory_space<hbm>>
    tpu.enqueue_dma source(%dma_start3A_39 : memref<40xi32, #tpu.memory_space<hbm>>) target(%arg9 : memref<40xi32, #tpu.memory_space<vmem>>) target_semaphore(%arg25 : memref<!tpu.dma_semaphore, #tpu.memory_space<semaphore_mem>>)
    %dma_start3A_40 = tpu.memref_slice %arg6[%mul3A_37] : memref<320000xi32, #tpu.memory_space<hbm>> -> memref<40xi32, #tpu.memory_space<hbm>>
    %dma_start3A_41 = tpu.memref_slice %arg6[%mul3A_37] : memref<320000xi32, #tpu.memory_space<hbm>> -> memref<40xi32, #tpu.memory_space<hbm>>
    tpu.enqueue_dma source(%dma_start3A_41 : memref<40xi32, #tpu.memory_space<hbm>>) target(%arg12 : memref<40xi32, #tpu.memory_space<vmem>>) target_semaphore(%arg25 : memref<!tpu.dma_semaphore, #tpu.memory_space<semaphore_mem>>)
    %dma_start3A_42 = arith.constant 0 : i32
    %dma_start3A_43 = tpu.memref_slice %arg4[%mul3A_37, %dma_start3A_42] : memref<320000x16xf32, #tpu.memory_space<hbm>> -> memref<40x16xf32, #tpu.memory_space<hbm>>
    %dma_start3A_44 = arith.constant 0 : i32
    %dma_start3A_45 = tpu.memref_slice %arg4[%mul3A_37, %dma_start3A_44] : memref<320000x16xf32, #tpu.memory_space<hbm>> -> memref<40x16xf32, #tpu.memory_space<hbm>>
    tpu.enqueue_dma source(%dma_start3A_45 : memref<40x16xf32, #tpu.memory_space<hbm>>) target(%arg15 : memref<40x16xf32, #tpu.memory_space<vmem>>) target_semaphore(%arg25 : memref<!tpu.dma_semaphore, #tpu.memory_space<semaphore_mem>>)
    %dma_start3A_46 = arith.constant 0 : i32
    %dma_start3A_47 = tpu.memref_slice %arg3[%mul3A_37, %dma_start3A_46] : memref<320000x128xf32, #tpu.memory_space<hbm>> -> memref<40x128xf32, #tpu.memory_space<hbm>>
    %dma_start3A_48 = arith.constant 0 : i32
    %dma_start3A_49 = tpu.memref_slice %arg3[%mul3A_37, %dma_start3A_48] : memref<320000x128xf32, #tpu.memory_space<hbm>> -> memref<40x128xf32, #tpu.memory_space<hbm>>
    tpu.enqueue_dma source(%dma_start3A_49 : memref<40x128xf32, #tpu.memory_space<hbm>>) target(%arg21 : memref<40x128xf32, #tpu.memory_space<vmem>>) target_semaphore(%arg25 : memref<!tpu.dma_semaphore, #tpu.memory_space<semaphore_mem>>)
    %dma_wait3A = arith.constant 0 : i32
    %dma_wait3A_50 = tpu.memref_slice %arg5[%dma_wait3A] : memref<320000xi32, #tpu.memory_space<hbm>> -> memref<40xi32, #tpu.memory_space<hbm>>
    %dma_wait3A_51 = arith.constant 0 : i32
    %dma_wait3A_52 = tpu.memref_slice %arg5[%dma_wait3A_51] : memref<320000xi32, #tpu.memory_space<hbm>> -> memref<40xi32, #tpu.memory_space<hbm>>
    tpu.wait_dma2 semaphore(%arg24 : memref<!tpu.dma_semaphore, #tpu.memory_space<semaphore_mem>>) src(%dma_wait3A_52 : memref<40xi32, #tpu.memory_space<hbm>>) dst(%arg8 : memref<40xi32, #tpu.memory_space<vmem>>)
    %dma_wait3A_53 = arith.constant 0 : i32
    %dma_wait3A_54 = tpu.memref_slice %arg6[%dma_wait3A_53] : memref<320000xi32, #tpu.memory_space<hbm>> -> memref<40xi32, #tpu.memory_space<hbm>>
    %dma_wait3A_55 = arith.constant 0 : i32
    %dma_wait3A_56 = tpu.memref_slice %arg6[%dma_wait3A_55] : memref<320000xi32, #tpu.memory_space<hbm>> -> memref<40xi32, #tpu.memory_space<hbm>>
    tpu.wait_dma2 semaphore(%arg24 : memref<!tpu.dma_semaphore, #tpu.memory_space<semaphore_mem>>) src(%dma_wait3A_56 : memref<40xi32, #tpu.memory_space<hbm>>) dst(%arg11 : memref<40xi32, #tpu.memory_space<vmem>>)
    %dma_wait3A_57 = arith.constant 0 : i32
    %dma_wait3A_58 = arith.constant 0 : i32
    %dma_wait3A_59 = tpu.memref_slice %arg4[%dma_wait3A_57, %dma_wait3A_58] : memref<320000x16xf32, #tpu.memory_space<hbm>> -> memref<40x16xf32, #tpu.memory_space<hbm>>
    %dma_wait3A_60 = arith.constant 0 : i32
    %dma_wait3A_61 = arith.constant 0 : i32
    %dma_wait3A_62 = tpu.memref_slice %arg4[%dma_wait3A_60, %dma_wait3A_61] : memref<320000x16xf32, #tpu.memory_space<hbm>> -> memref<40x16xf32, #tpu.memory_space<hbm>>
    tpu.wait_dma2 semaphore(%arg24 : memref<!tpu.dma_semaphore, #tpu.memory_space<semaphore_mem>>) src(%dma_wait3A_62 : memref<40x16xf32, #tpu.memory_space<hbm>>) dst(%arg14 : memref<40x16xf32, #tpu.memory_space<vmem>>)
    %dma_wait3A_63 = arith.constant 0 : i32
    %dma_wait3A_64 = arith.constant 0 : i32
    %dma_wait3A_65 = tpu.memref_slice %arg3[%dma_wait3A_63, %dma_wait3A_64] : memref<320000x128xf32, #tpu.memory_space<hbm>> -> memref<40x128xf32, #tpu.memory_space<hbm>>
    %dma_wait3A_66 = arith.constant 0 : i32
    %dma_wait3A_67 = arith.constant 0 : i32
    %dma_wait3A_68 = tpu.memref_slice %arg3[%dma_wait3A_66, %dma_wait3A_67] : memref<320000x128xf32, #tpu.memory_space<hbm>> -> memref<40x128xf32, #tpu.memory_space<hbm>>
    tpu.wait_dma2 semaphore(%arg24 : memref<!tpu.dma_semaphore, #tpu.memory_space<semaphore_mem>>) src(%dma_wait3A_68 : memref<40x128xf32, #tpu.memory_space<hbm>>) dst(%arg20 : memref<40x128xf32, #tpu.memory_space<vmem>>)
    %dma_start3A_69 = arith.constant 0 : i32
    %dma_start3A_70 = arith.constant 0 : i32
    %dma_start3A_71 = tpu.memref_slice %arg2[%dma_start3A_69, %dma_start3A_70] : memref<10000x128xf32, #tpu.memory_space<hbm>> -> memref<10000x128xf32, #tpu.memory_space<hbm>>
    tpu.enqueue_indirect_dma source(%dma_start3A_71 : memref<10000x128xf32, #tpu.memory_space<hbm>>) target(%arg17 : memref<40x128xf32, #tpu.memory_space<vmem>>) offsets(%arg8 : memref<40xi32, #tpu.memory_space<vmem>>) semaphore(%arg27 : memref<!tpu.dma_semaphore, #tpu.memory_space<semaphore_mem>>)
    %scan3A_72 = arith.constant 0 : i32
    %scan3A_73 = arith.constant 0 : i32
    %scan3A_74 = arith.constant 84 : i32
    %scan3A_75 = arith.addi %scan3A_73, %scan3A_74 : i32
    %scan3A_76 = arith.constant 1 : i32
    scf.for %scan3A_98 = %scan3A_73 to %scan3A_75 step %scan3A_76  : i32 {
      %mul3A_99 = arith.constant 3 : i32
      %mul3A_100 = arith.muli %scan3A_98, %mul3A_99 : i32
      %add3A_101 = arith.constant 0 : i32
      %add3A_102 = arith.addi %mul3A_100, %add3A_101 : i32
      %add3A_103 = arith.constant 3 : i32
      %add3A_104 = arith.addi %add3A_102, %add3A_103 : i32
      %sub3A = arith.constant 1 : i32
      %sub3A_105 = arith.subi %add3A_104, %sub3A : i32
      %lt3A_106 = arith.constant 250 : i32
      %lt3A_107 = arith.cmpi slt, %sub3A_105, %lt3A_106 : i32
      %convert_element_type3A = arith.extui %lt3A_107 : i1 to i32
      %cond3A = arith.constant 0 : i32
      %cond3A_108 = arith.cmpi ne, %convert_element_type3A, %cond3A : i32
      scf.if %cond3A_108 {
        %ge3A = arith.constant 3 : i32
        %ge3A_150 = arith.cmpi sge, %sub3A_105, %ge3A : i32
        %convert_element_type3A_151 = arith.extui %ge3A_150 : i1 to i32
        %cond3A_152 = arith.constant 0 : i32
        %cond3A_153 = arith.cmpi ne, %convert_element_type3A_151, %cond3A_152 : i32
        scf.if %cond3A_153 {
          %dma_wait3A_171 = arith.constant 0 : i32
          %dma_wait3A_172 = arith.constant 0 : i32
          %dma_wait3A_173 = tpu.memref_slice %arg23[%dma_wait3A_171, %dma_wait3A_172] : memref<10000x128xf32, #tpu.memory_space<vmem_shared>> -> memref<10000x128xf32, #tpu.memory_space<vmem_shared>>
          tpu.wait_indirect_dma semaphore(%arg32 : memref<!tpu.dma_semaphore, #tpu.memory_space<semaphore_mem>>) src(%arg19 : memref<40x128xf32, #tpu.memory_space<vmem>>) dst(%dma_wait3A_173 : memref<10000x128xf32, #tpu.memory_space<vmem_shared>>)
        } else {
        }
        %mul3A_154 = arith.constant 32 : i32
        %mul3A_155 = arith.muli %sub3A_105, %mul3A_154 : i32
        %add3A_156 = arith.addi %mul3A_155, %add3A_18 : i32
        %mul3A_157 = arith.constant 40 : i32
        %mul3A_158 = arith.muli %add3A_156, %mul3A_157 : i32
        %dma_start3A_159 = tpu.memref_slice %arg5[%mul3A_158] : memref<320000xi32, #tpu.memory_space<hbm>> -> memref<40xi32, #tpu.memory_space<hbm>>
        %dma_start3A_160 = tpu.memref_slice %arg5[%mul3A_158] : memref<320000xi32, #tpu.memory_space<hbm>> -> memref<40xi32, #tpu.memory_space<hbm>>
        tpu.enqueue_dma source(%dma_start3A_160 : memref<40xi32, #tpu.memory_space<hbm>>) target(%arg10 : memref<40xi32, #tpu.memory_space<vmem>>) target_semaphore(%arg26 : memref<!tpu.dma_semaphore, #tpu.memory_space<semaphore_mem>>)
        %dma_start3A_161 = tpu.memref_slice %arg6[%mul3A_158] : memref<320000xi32, #tpu.memory_space<hbm>> -> memref<40xi32, #tpu.memory_space<hbm>>
        %dma_start3A_162 = tpu.memref_slice %arg6[%mul3A_158] : memref<320000xi32, #tpu.memory_space<hbm>> -> memref<40xi32, #tpu.memory_space<hbm>>
        tpu.enqueue_dma source(%dma_start3A_162 : memref<40xi32, #tpu.memory_space<hbm>>) target(%arg13 : memref<40xi32, #tpu.memory_space<vmem>>) target_semaphore(%arg26 : memref<!tpu.dma_semaphore, #tpu.memory_space<semaphore_mem>>)
        %dma_start3A_163 = arith.constant 0 : i32
        %dma_start3A_164 = tpu.memref_slice %arg4[%mul3A_158, %dma_start3A_163] : memref<320000x16xf32, #tpu.memory_space<hbm>> -> memref<40x16xf32, #tpu.memory_space<hbm>>
        %dma_start3A_165 = arith.constant 0 : i32
        %dma_start3A_166 = tpu.memref_slice %arg4[%mul3A_158, %dma_start3A_165] : memref<320000x16xf32, #tpu.memory_space<hbm>> -> memref<40x16xf32, #tpu.memory_space<hbm>>
        tpu.enqueue_dma source(%dma_start3A_166 : memref<40x16xf32, #tpu.memory_space<hbm>>) target(%arg16 : memref<40x16xf32, #tpu.memory_space<vmem>>) target_semaphore(%arg26 : memref<!tpu.dma_semaphore, #tpu.memory_space<semaphore_mem>>)
        %dma_start3A_167 = arith.constant 0 : i32
        %dma_start3A_168 = tpu.memref_slice %arg3[%mul3A_158, %dma_start3A_167] : memref<320000x128xf32, #tpu.memory_space<hbm>> -> memref<40x128xf32, #tpu.memory_space<hbm>>
        %dma_start3A_169 = arith.constant 0 : i32
        %dma_start3A_170 = tpu.memref_slice %arg3[%mul3A_158, %dma_start3A_169] : memref<320000x128xf32, #tpu.memory_space<hbm>> -> memref<40x128xf32, #tpu.memory_space<hbm>>
        tpu.enqueue_dma source(%dma_start3A_170 : memref<40x128xf32, #tpu.memory_space<hbm>>) target(%arg22 : memref<40x128xf32, #tpu.memory_space<vmem>>) target_semaphore(%arg26 : memref<!tpu.dma_semaphore, #tpu.memory_space<semaphore_mem>>)
      } else {
      }
      %lt3A_109 = arith.constant 250 : i32
      %lt3A_110 = arith.cmpi slt, %add3A_102, %lt3A_109 : i32
      %convert_element_type3A_111 = arith.extui %lt3A_110 : i1 to i32
      %cond3A_112 = arith.constant 0 : i32
      %cond3A_113 = arith.cmpi ne, %convert_element_type3A_111, %cond3A_112 : i32
      scf.if %cond3A_113 {
        %dma_wait3A_150 = arith.constant 0 : i32
        %dma_wait3A_151 = arith.constant 0 : i32
        %dma_wait3A_152 = tpu.memref_slice %arg2[%dma_wait3A_150, %dma_wait3A_151] : memref<10000x128xf32, #tpu.memory_space<hbm>> -> memref<10000x128xf32, #tpu.memory_space<hbm>>
        tpu.wait_indirect_dma semaphore(%arg27 : memref<!tpu.dma_semaphore, #tpu.memory_space<semaphore_mem>>) src(%dma_wait3A_152 : memref<10000x128xf32, #tpu.memory_space<hbm>>) dst(%arg17 : memref<40x128xf32, #tpu.memory_space<vmem>>)
        %scan3A_153 = arith.constant 0 : i32
        %scan3A_154 = arith.constant 0 : i32
        %scan3A_155 = arith.constant 40 : i32
        %scan3A_156 = arith.addi %scan3A_154, %scan3A_155 : i32
        %scan3A_157 = arith.constant 1 : i32
        scf.for %scan3A_169 = %scan3A_154 to %scan3A_156 step %scan3A_157  : i32 {
          %get3A = arith.index_cast %scan3A_169 : i32 to index
          %get3A_170 = arith.constant 0 : index
          %get3A_171 = tpu.vector_load %arg14[%get3A, %get3A_170] {strides = array<i32>} : memref<40x16xf32, #tpu.memory_space<vmem>>, vector<1x16xf32>,
          %get3A_172 = vector.shape_cast %get3A_171 : vector<1x16xf32> to vector<16xf32>
          %get3A_173 = arith.index_cast %scan3A_169 : i32 to index
          %get3A_174 = arith.constant 0 : index
          %get3A_175 = tpu.vector_load %arg17[%get3A_173, %get3A_174] {strides = array<i32>} : memref<40x128xf32, #tpu.memory_space<vmem>>, vector<1x16xf32>,
          %get3A_176 = vector.shape_cast %get3A_175 : vector<1x16xf32> to vector<16xf32>
          %get3A_177 = arith.index_cast %scan3A_169 : i32 to index
          %get3A_178 = arith.constant 0 : index
          %get3A_179 = tpu.vector_load %arg20[%get3A_177, %get3A_178] {strides = array<i32>} : memref<40x128xf32, #tpu.memory_space<vmem>>, vector<1x16xf32>,
          %get3A_180 = vector.shape_cast %get3A_179 : vector<1x16xf32> to vector<16xf32>
          %add3A_181 = arith.addf %get3A_176, %get3A_180 : vector<16xf32>
          %max3A = arith.constant 0.000000e+00 : f32
          %max3A_182 = vector.broadcast %max3A : f32 to vector<16xf32>
          %max3A_183 = arith.maximumf %add3A_181, %max3A_182 : vector<16xf32>
          %mul3A_184 = arith.mulf %max3A_183, %get3A_172 : vector<16xf32>
          %swap3A = arith.index_cast %scan3A_169 : i32 to index
          %swap3A_185 = arith.constant 0 : index
          %swap3A_186 = tpu.vector_load %arg17[%swap3A, %swap3A_185] {strides = array<i32>} : memref<40x128xf32, #tpu.memory_space<vmem>>, vector<1x16xf32>,
          %swap3A_187 = vector.shape_cast %swap3A_186 : vector<1x16xf32> to vector<16xf32>
          %swap3A_188 = vector.shape_cast %mul3A_184 : vector<16xf32> to vector<1x16xf32>
          tpu.vector_store %arg17[%swap3A, %swap3A_185], %swap3A_188 {strides = array<i32>} : memref<40x128xf32, #tpu.memory_space<vmem>>, vector<1x16xf32>,
          %get3A_189 = arith.index_cast %scan3A_169 : i32 to index
          %get3A_190 = arith.constant 16 : index
          %get3A_191 = tpu.vector_load %arg17[%get3A_189, %get3A_190] {strides = array<i32>} : memref<40x128xf32, #tpu.memory_space<vmem>>, vector<1x16xf32>,
          %get3A_192 = vector.shape_cast %get3A_191 : vector<1x16xf32> to vector<16xf32>
          %get3A_193 = arith.index_cast %scan3A_169 : i32 to index
          %get3A_194 = arith.constant 16 : index
          %get3A_195 = tpu.vector_load %arg20[%get3A_193, %get3A_194] {strides = array<i32>} : memref<40x128xf32, #tpu.memory_space<vmem>>, vector<1x16xf32>,
          %get3A_196 = vector.shape_cast %get3A_195 : vector<1x16xf32> to vector<16xf32>
          %add3A_197 = arith.addf %get3A_192, %get3A_196 : vector<16xf32>
          %max3A_198 = arith.constant 0.000000e+00 : f32
          %max3A_199 = vector.broadcast %max3A_198 : f32 to vector<16xf32>
          %max3A_200 = arith.maximumf %add3A_197, %max3A_199 : vector<16xf32>
          %mul3A_201 = arith.mulf %max3A_200, %get3A_172 : vector<16xf32>
          %swap3A_202 = arith.index_cast %scan3A_169 : i32 to index
          %swap3A_203 = arith.constant 16 : index
          %swap3A_204 = tpu.vector_load %arg17[%swap3A_202, %swap3A_203] {strides = array<i32>} : memref<40x128xf32, #tpu.memory_space<vmem>>, vector<1x16xf32>,
          %swap3A_205 = vector.shape_cast %swap3A_204 : vector<1x16xf32> to vector<16xf32>
          %swap3A_206 = vector.shape_cast %mul3A_201 : vector<16xf32> to vector<1x16xf32>
          tpu.vector_store %arg17[%swap3A_202, %swap3A_203], %swap3A_206 {strides = array<i32>} : memref<40x128xf32, #tpu.memory_space<vmem>>, vector<1x16xf32>,
          %get3A_207 = arith.index_cast %scan3A_169 : i32 to index
          %get3A_208 = arith.constant 32 : index
          %get3A_209 = tpu.vector_load %arg17[%get3A_207, %get3A_208] {strides = array<i32>} : memref<40x128xf32, #tpu.memory_space<vmem>>, vector<1x16xf32>,
          %get3A_210 = vector.shape_cast %get3A_209 : vector<1x16xf32> to vector<16xf32>
          %get3A_211 = arith.index_cast %scan3A_169 : i32 to index
          %get3A_212 = arith.constant 32 : index
          %get3A_213 = tpu.vector_load %arg20[%get3A_211, %get3A_212] {strides = array<i32>} : memref<40x128xf32, #tpu.memory_space<vmem>>, vector<1x16xf32>,
          %get3A_214 = vector.shape_cast %get3A_213 : vector<1x16xf32> to vector<16xf32>
          %add3A_215 = arith.addf %get3A_210, %get3A_214 : vector<16xf32>
          %max3A_216 = arith.constant 0.000000e+00 : f32
          %max3A_217 = vector.broadcast %max3A_216 : f32 to vector<16xf32>
          %max3A_218 = arith.maximumf %add3A_215, %max3A_217 : vector<16xf32>
          %mul3A_219 = arith.mulf %max3A_218, %get3A_172 : vector<16xf32>
          %swap3A_220 = arith.index_cast %scan3A_169 : i32 to index
          %swap3A_221 = arith.constant 32 : index
          %swap3A_222 = tpu.vector_load %arg17[%swap3A_220, %swap3A_221] {strides = array<i32>} : memref<40x128xf32, #tpu.memory_space<vmem>>, vector<1x16xf32>,
          %swap3A_223 = vector.shape_cast %swap3A_222 : vector<1x16xf32> to vector<16xf32>
          %swap3A_224 = vector.shape_cast %mul3A_219 : vector<16xf32> to vector<1x16xf32>
          tpu.vector_store %arg17[%swap3A_220, %swap3A_221], %swap3A_224 {strides = array<i32>} : memref<40x128xf32, #tpu.memory_space<vmem>>, vector<1x16xf32>,
          %get3A_225 = arith.index_cast %scan3A_169 : i32 to index
          %get3A_226 = arith.constant 48 : index
          %get3A_227 = tpu.vector_load %arg17[%get3A_225, %get3A_226] {strides = array<i32>} : memref<40x128xf32, #tpu.memory_space<vmem>>, vector<1x16xf32>,
          %get3A_228 = vector.shape_cast %get3A_227 : vector<1x16xf32> to vector<16xf32>
          %get3A_229 = arith.index_cast %scan3A_169 : i32 to index
          %get3A_230 = arith.constant 48 : index
          %get3A_231 = tpu.vector_load %arg20[%get3A_229, %get3A_230] {strides = array<i32>} : memref<40x128xf32, #tpu.memory_space<vmem>>, vector<1x16xf32>,
          %get3A_232 = vector.shape_cast %get3A_231 : vector<1x16xf32> to vector<16xf32>
          %add3A_233 = arith.addf %get3A_228, %get3A_232 : vector<16xf32>
          %max3A_234 = arith.constant 0.000000e+00 : f32
          %max3A_235 = vector.broadcast %max3A_234 : f32 to vector<16xf32>
          %max3A_236 = arith.maximumf %add3A_233, %max3A_235 : vector<16xf32>
          %mul3A_237 = arith.mulf %max3A_236, %get3A_172 : vector<16xf32>
          %swap3A_238 = arith.index_cast %scan3A_169 : i32 to index
          %swap3A_239 = arith.constant 48 : index
          %swap3A_240 = tpu.vector_load %arg17[%swap3A_238, %swap3A_239] {strides = array<i32>} : memref<40x128xf32, #tpu.memory_space<vmem>>, vector<1x16xf32>,
          %swap3A_241 = vector.shape_cast %swap3A_240 : vector<1x16xf32> to vector<16xf32>
          %swap3A_242 = vector.shape_cast %mul3A_237 : vector<16xf32> to vector<1x16xf32>
          tpu.vector_store %arg17[%swap3A_238, %swap3A_239], %swap3A_242 {strides = array<i32>} : memref<40x128xf32, #tpu.memory_space<vmem>>, vector<1x16xf32>,
          %get3A_243 = arith.index_cast %scan3A_169 : i32 to index
          %get3A_244 = arith.constant 64 : index
          %get3A_245 = tpu.vector_load %arg17[%get3A_243, %get3A_244] {strides = array<i32>} : memref<40x128xf32, #tpu.memory_space<vmem>>, vector<1x16xf32>,
          %get3A_246 = vector.shape_cast %get3A_245 : vector<1x16xf32> to vector<16xf32>
          %get3A_247 = arith.index_cast %scan3A_169 : i32 to index
          %get3A_248 = arith.constant 64 : index
          %get3A_249 = tpu.vector_load %arg20[%get3A_247, %get3A_248] {strides = array<i32>} : memref<40x128xf32, #tpu.memory_space<vmem>>, vector<1x16xf32>,
          %get3A_250 = vector.shape_cast %get3A_249 : vector<1x16xf32> to vector<16xf32>
          %add3A_251 = arith.addf %get3A_246, %get3A_250 : vector<16xf32>
          %max3A_252 = arith.constant 0.000000e+00 : f32
          %max3A_253 = vector.broadcast %max3A_252 : f32 to vector<16xf32>
          %max3A_254 = arith.maximumf %add3A_251, %max3A_253 : vector<16xf32>
          %mul3A_255 = arith.mulf %max3A_254, %get3A_172 : vector<16xf32>
          %swap3A_256 = arith.index_cast %scan3A_169 : i32 to index
          %swap3A_257 = arith.constant 64 : index
          %swap3A_258 = tpu.vector_load %arg17[%swap3A_256, %swap3A_257] {strides = array<i32>} : memref<40x128xf32, #tpu.memory_space<vmem>>, vector<1x16xf32>,
          %swap3A_259 = vector.shape_cast %swap3A_258 : vector<1x16xf32> to vector<16xf32>
          %swap3A_260 = vector.shape_cast %mul3A_255 : vector<16xf32> to vector<1x16xf32>
          tpu.vector_store %arg17[%swap3A_256, %swap3A_257], %swap3A_260 {strides = array<i32>} : memref<40x128xf32, #tpu.memory_space<vmem>>, vector<1x16xf32>,
          %get3A_261 = arith.index_cast %scan3A_169 : i32 to index
          %get3A_262 = arith.constant 80 : index
          %get3A_263 = tpu.vector_load %arg17[%get3A_261, %get3A_262] {strides = array<i32>} : memref<40x128xf32, #tpu.memory_space<vmem>>, vector<1x16xf32>,
          %get3A_264 = vector.shape_cast %get3A_263 : vector<1x16xf32> to vector<16xf32>
          %get3A_265 = arith.index_cast %scan3A_169 : i32 to index
          %get3A_266 = arith.constant 80 : index
          %get3A_267 = tpu.vector_load %arg20[%get3A_265, %get3A_266] {strides = array<i32>} : memref<40x128xf32, #tpu.memory_space<vmem>>, vector<1x16xf32>,
          %get3A_268 = vector.shape_cast %get3A_267 : vector<1x16xf32> to vector<16xf32>
          %add3A_269 = arith.addf %get3A_264, %get3A_268 : vector<16xf32>
          %max3A_270 = arith.constant 0.000000e+00 : f32
          %max3A_271 = vector.broadcast %max3A_270 : f32 to vector<16xf32>
          %max3A_272 = arith.maximumf %add3A_269, %max3A_271 : vector<16xf32>
          %mul3A_273 = arith.mulf %max3A_272, %get3A_172 : vector<16xf32>
          %swap3A_274 = arith.index_cast %scan3A_169 : i32 to index
          %swap3A_275 = arith.constant 80 : index
          %swap3A_276 = tpu.vector_load %arg17[%swap3A_274, %swap3A_275] {strides = array<i32>} : memref<40x128xf32, #tpu.memory_space<vmem>>, vector<1x16xf32>,
          %swap3A_277 = vector.shape_cast %swap3A_276 : vector<1x16xf32> to vector<16xf32>
          %swap3A_278 = vector.shape_cast %mul3A_273 : vector<16xf32> to vector<1x16xf32>
          tpu.vector_store %arg17[%swap3A_274, %swap3A_275], %swap3A_278 {strides = array<i32>} : memref<40x128xf32, #tpu.memory_space<vmem>>, vector<1x16xf32>,
          %get3A_279 = arith.index_cast %scan3A_169 : i32 to index
          %get3A_280 = arith.constant 96 : index
          %get3A_281 = tpu.vector_load %arg17[%get3A_279, %get3A_280] {strides = array<i32>} : memref<40x128xf32, #tpu.memory_space<vmem>>, vector<1x16xf32>,
          %get3A_282 = vector.shape_cast %get3A_281 : vector<1x16xf32> to vector<16xf32>
          %get3A_283 = arith.index_cast %scan3A_169 : i32 to index
          %get3A_284 = arith.constant 96 : index
          %get3A_285 = tpu.vector_load %arg20[%get3A_283, %get3A_284] {strides = array<i32>} : memref<40x128xf32, #tpu.memory_space<vmem>>, vector<1x16xf32>,
          %get3A_286 = vector.shape_cast %get3A_285 : vector<1x16xf32> to vector<16xf32>
          %add3A_287 = arith.addf %get3A_282, %get3A_286 : vector<16xf32>
          %max3A_288 = arith.constant 0.000000e+00 : f32
          %max3A_289 = vector.broadcast %max3A_288 : f32 to vector<16xf32>
          %max3A_290 = arith.maximumf %add3A_287, %max3A_289 : vector<16xf32>
          %mul3A_291 = arith.mulf %max3A_290, %get3A_172 : vector<16xf32>
          %swap3A_292 = arith.index_cast %scan3A_169 : i32 to index
          %swap3A_293 = arith.constant 96 : index
          %swap3A_294 = tpu.vector_load %arg17[%swap3A_292, %swap3A_293] {strides = array<i32>} : memref<40x128xf32, #tpu.memory_space<vmem>>, vector<1x16xf32>,
          %swap3A_295 = vector.shape_cast %swap3A_294 : vector<1x16xf32> to vector<16xf32>
          %swap3A_296 = vector.shape_cast %mul3A_291 : vector<16xf32> to vector<1x16xf32>
          tpu.vector_store %arg17[%swap3A_292, %swap3A_293], %swap3A_296 {strides = array<i32>} : memref<40x128xf32, #tpu.memory_space<vmem>>, vector<1x16xf32>,
          %get3A_297 = arith.index_cast %scan3A_169 : i32 to index
          %get3A_298 = arith.constant 112 : index
          %get3A_299 = tpu.vector_load %arg17[%get3A_297, %get3A_298] {strides = array<i32>} : memref<40x128xf32, #tpu.memory_space<vmem>>, vector<1x16xf32>,
          %get3A_300 = vector.shape_cast %get3A_299 : vector<1x16xf32> to vector<16xf32>
          %get3A_301 = arith.index_cast %scan3A_169 : i32 to index
          %get3A_302 = arith.constant 112 : index
          %get3A_303 = tpu.vector_load %arg20[%get3A_301, %get3A_302] {strides = array<i32>} : memref<40x128xf32, #tpu.memory_space<vmem>>, vector<1x16xf32>,
          %get3A_304 = vector.shape_cast %get3A_303 : vector<1x16xf32> to vector<16xf32>
          %add3A_305 = arith.addf %get3A_300, %get3A_304 : vector<16xf32>
          %max3A_306 = arith.constant 0.000000e+00 : f32
          %max3A_307 = vector.broadcast %max3A_306 : f32 to vector<16xf32>
          %max3A_308 = arith.maximumf %add3A_305, %max3A_307 : vector<16xf32>
          %mul3A_309 = arith.mulf %max3A_308, %get3A_172 : vector<16xf32>
          %swap3A_310 = arith.index_cast %scan3A_169 : i32 to index
          %swap3A_311 = arith.constant 112 : index
          %swap3A_312 = tpu.vector_load %arg17[%swap3A_310, %swap3A_311] {strides = array<i32>} : memref<40x128xf32, #tpu.memory_space<vmem>>, vector<1x16xf32>,
          %swap3A_313 = vector.shape_cast %swap3A_312 : vector<1x16xf32> to vector<16xf32>
          %swap3A_314 = vector.shape_cast %mul3A_309 : vector<16xf32> to vector<1x16xf32>
          tpu.vector_store %arg17[%swap3A_310, %swap3A_311], %swap3A_314 {strides = array<i32>} : memref<40x128xf32, #tpu.memory_space<vmem>>, vector<1x16xf32>,
        }
        %scan3A_158 = arith.constant 40 : i32
        %dma_start3A_159 = arith.constant 0 : i32
        %dma_start3A_160 = arith.constant 0 : i32
        %dma_start3A_161 = tpu.memref_slice %arg23[%dma_start3A_159, %dma_start3A_160] : memref<10000x128xf32, #tpu.memory_space<vmem_shared>> -> memref<10000x128xf32, #tpu.memory_space<vmem_shared>>
        tpu.enqueue_indirect_dma source(%arg17 : memref<40x128xf32, #tpu.memory_space<vmem>>) target(%dma_start3A_161 : memref<10000x128xf32, #tpu.memory_space<vmem_shared>>) offsets(%arg11 : memref<40xi32, #tpu.memory_space<vmem>>) semaphore(%arg30 : memref<!tpu.dma_semaphore, #tpu.memory_space<semaphore_mem>>) {add = true}
        %add3A_162 = arith.constant 1 : i32
        %add3A_163 = arith.addi %add3A_102, %add3A_162 : i32
        %lt3A_164 = arith.constant 250 : i32
        %lt3A_165 = arith.cmpi slt, %add3A_163, %lt3A_164 : i32
        %convert_element_type3A_166 = arith.extui %lt3A_165 : i1 to i32
        %cond3A_167 = arith.constant 0 : i32
        %cond3A_168 = arith.cmpi ne, %convert_element_type3A_166, %cond3A_167 : i32
        scf.if %cond3A_168 {
          %dma_wait3A_169 = arith.constant 0 : i32
          %dma_wait3A_170 = tpu.memref_slice %arg5[%dma_wait3A_169] : memref<320000xi32, #tpu.memory_space<hbm>> -> memref<40xi32, #tpu.memory_space<hbm>>
          %dma_wait3A_171 = arith.constant 0 : i32
          %dma_wait3A_172 = tpu.memref_slice %arg5[%dma_wait3A_171] : memref<320000xi32, #tpu.memory_space<hbm>> -> memref<40xi32, #tpu.memory_space<hbm>>
          tpu.wait_dma2 semaphore(%arg25 : memref<!tpu.dma_semaphore, #tpu.memory_space<semaphore_mem>>) src(%dma_wait3A_172 : memref<40xi32, #tpu.memory_space<hbm>>) dst(%arg9 : memref<40xi32, #tpu.memory_space<vmem>>)
          %dma_wait3A_173 = arith.constant 0 : i32
          %dma_wait3A_174 = tpu.memref_slice %arg6[%dma_wait3A_173] : memref<320000xi32, #tpu.memory_space<hbm>> -> memref<40xi32, #tpu.memory_space<hbm>>
          %dma_wait3A_175 = arith.constant 0 : i32
          %dma_wait3A_176 = tpu.memref_slice %arg6[%dma_wait3A_175] : memref<320000xi32, #tpu.memory_space<hbm>> -> memref<40xi32, #tpu.memory_space<hbm>>
          tpu.wait_dma2 semaphore(%arg25 : memref<!tpu.dma_semaphore, #tpu.memory_space<semaphore_mem>>) src(%dma_wait3A_176 : memref<40xi32, #tpu.memory_space<hbm>>) dst(%arg12 : memref<40xi32, #tpu.memory_space<vmem>>)
          %dma_wait3A_177 = arith.constant 0 : i32
          %dma_wait3A_178 = arith.constant 0 : i32
          %dma_wait3A_179 = tpu.memref_slice %arg4[%dma_wait3A_177, %dma_wait3A_178] : memref<320000x16xf32, #tpu.memory_space<hbm>> -> memref<40x16xf32, #tpu.memory_space<hbm>>
          %dma_wait3A_180 = arith.constant 0 : i32
          %dma_wait3A_181 = arith.constant 0 : i32
          %dma_wait3A_182 = tpu.memref_slice %arg4[%dma_wait3A_180, %dma_wait3A_181] : memref<320000x16xf32, #tpu.memory_space<hbm>> -> memref<40x16xf32, #tpu.memory_space<hbm>>
          tpu.wait_dma2 semaphore(%arg25 : memref<!tpu.dma_semaphore, #tpu.memory_space<semaphore_mem>>) src(%dma_wait3A_182 : memref<40x16xf32, #tpu.memory_space<hbm>>) dst(%arg15 : memref<40x16xf32, #tpu.memory_space<vmem>>)
          %dma_wait3A_183 = arith.constant 0 : i32
          %dma_wait3A_184 = arith.constant 0 : i32
          %dma_wait3A_185 = tpu.memref_slice %arg3[%dma_wait3A_183, %dma_wait3A_184] : memref<320000x128xf32, #tpu.memory_space<hbm>> -> memref<40x128xf32, #tpu.memory_space<hbm>>
          %dma_wait3A_186 = arith.constant 0 : i32
          %dma_wait3A_187 = arith.constant 0 : i32
          %dma_wait3A_188 = tpu.memref_slice %arg3[%dma_wait3A_186, %dma_wait3A_187] : memref<320000x128xf32, #tpu.memory_space<hbm>> -> memref<40x128xf32, #tpu.memory_space<hbm>>
          tpu.wait_dma2 semaphore(%arg25 : memref<!tpu.dma_semaphore, #tpu.memory_space<semaphore_mem>>) src(%dma_wait3A_188 : memref<40x128xf32, #tpu.memory_space<hbm>>) dst(%arg21 : memref<40x128xf32, #tpu.memory_space<vmem>>)
          %dma_start3A_189 = arith.constant 0 : i32
          %dma_start3A_190 = arith.constant 0 : i32
          %dma_start3A_191 = tpu.memref_slice %arg2[%dma_start3A_189, %dma_start3A_190] : memref<10000x128xf32, #tpu.memory_space<hbm>> -> memref<10000x128xf32, #tpu.memory_space<hbm>>
          tpu.enqueue_indirect_dma source(%dma_start3A_191 : memref<10000x128xf32, #tpu.memory_space<hbm>>) target(%arg18 : memref<40x128xf32, #tpu.memory_space<vmem>>) offsets(%arg9 : memref<40xi32, #tpu.memory_space<vmem>>) semaphore(%arg28 : memref<!tpu.dma_semaphore, #tpu.memory_space<semaphore_mem>>)
        } else {
        }
      } else {
      }
      %mul3A_114 = arith.constant 3 : i32
      %mul3A_115 = arith.muli %scan3A_98, %mul3A_114 : i32
      %add3A_116 = arith.constant 1 : i32
      %add3A_117 = arith.addi %mul3A_115, %add3A_116 : i32
      %add3A_118 = arith.constant 3 : i32
      %add3A_119 = arith.addi %add3A_117, %add3A_118 : i32
      %sub3A_120 = arith.constant 1 : i32
      %sub3A_121 = arith.subi %add3A_119, %sub3A_120 : i32
      %lt3A_122 = arith.constant 250 : i32
      %lt3A_123 = arith.cmpi slt, %sub3A_121, %lt3A_122 : i32
      %convert_element_type3A_124 = arith.extui %lt3A_123 : i1 to i32
      %cond3A_125 = arith.constant 0 : i32
      %cond3A_126 = arith.cmpi ne, %convert_element_type3A_124, %cond3A_125 : i32
      scf.if %cond3A_126 {
        %ge3A = arith.constant 3 : i32
        %ge3A_150 = arith.cmpi sge, %sub3A_121, %ge3A : i32
        %convert_element_type3A_151 = arith.extui %ge3A_150 : i1 to i32
        %cond3A_152 = arith.constant 0 : i32
        %cond3A_153 = arith.cmpi ne, %convert_element_type3A_151, %cond3A_152 : i32
        scf.if %cond3A_153 {
          %dma_wait3A_171 = arith.constant 0 : i32
          %dma_wait3A_172 = arith.constant 0 : i32
          %dma_wait3A_173 = tpu.memref_slice %arg23[%dma_wait3A_171, %dma_wait3A_172] : memref<10000x128xf32, #tpu.memory_space<vmem_shared>> -> memref<10000x128xf32, #tpu.memory_space<vmem_shared>>
          tpu.wait_indirect_dma semaphore(%arg30 : memref<!tpu.dma_semaphore, #tpu.memory_space<semaphore_mem>>) src(%arg17 : memref<40x128xf32, #tpu.memory_space<vmem>>) dst(%dma_wait3A_173 : memref<10000x128xf32, #tpu.memory_space<vmem_shared>>)
        } else {
        }
        %mul3A_154 = arith.constant 32 : i32
        %mul3A_155 = arith.muli %sub3A_121, %mul3A_154 : i32
        %add3A_156 = arith.addi %mul3A_155, %add3A_18 : i32
        %mul3A_157 = arith.constant 40 : i32
        %mul3A_158 = arith.muli %add3A_156, %mul3A_157 : i32
        %dma_start3A_159 = tpu.memref_slice %arg5[%mul3A_158] : memref<320000xi32, #tpu.memory_space<hbm>> -> memref<40xi32, #tpu.memory_space<hbm>>
        %dma_start3A_160 = tpu.memref_slice %arg5[%mul3A_158] : memref<320000xi32, #tpu.memory_space<hbm>> -> memref<40xi32, #tpu.memory_space<hbm>>
        tpu.enqueue_dma source(%dma_start3A_160 : memref<40xi32, #tpu.memory_space<hbm>>) target(%arg8 : memref<40xi32, #tpu.memory_space<vmem>>) target_semaphore(%arg24 : memref<!tpu.dma_semaphore, #tpu.memory_space<semaphore_mem>>)
        %dma_start3A_161 = tpu.memref_slice %arg6[%mul3A_158] : memref<320000xi32, #tpu.memory_space<hbm>> -> memref<40xi32, #tpu.memory_space<hbm>>
        %dma_start3A_162 = tpu.memref_slice %arg6[%mul3A_158] : memref<320000xi32, #tpu.memory_space<hbm>> -> memref<40xi32, #tpu.memory_space<hbm>>
        tpu.enqueue_dma source(%dma_start3A_162 : memref<40xi32, #tpu.memory_space<hbm>>) target(%arg11 : memref<40xi32, #tpu.memory_space<vmem>>) target_semaphore(%arg24 : memref<!tpu.dma_semaphore, #tpu.memory_space<semaphore_mem>>)
        %dma_start3A_163 = arith.constant 0 : i32
        %dma_start3A_164 = tpu.memref_slice %arg4[%mul3A_158, %dma_start3A_163] : memref<320000x16xf32, #tpu.memory_space<hbm>> -> memref<40x16xf32, #tpu.memory_space<hbm>>
        %dma_start3A_165 = arith.constant 0 : i32
        %dma_start3A_166 = tpu.memref_slice %arg4[%mul3A_158, %dma_start3A_165] : memref<320000x16xf32, #tpu.memory_space<hbm>> -> memref<40x16xf32, #tpu.memory_space<hbm>>
        tpu.enqueue_dma source(%dma_start3A_166 : memref<40x16xf32, #tpu.memory_space<hbm>>) target(%arg14 : memref<40x16xf32, #tpu.memory_space<vmem>>) target_semaphore(%arg24 : memref<!tpu.dma_semaphore, #tpu.memory_space<semaphore_mem>>)
        %dma_start3A_167 = arith.constant 0 : i32
        %dma_start3A_168 = tpu.memref_slice %arg3[%mul3A_158, %dma_start3A_167] : memref<320000x128xf32, #tpu.memory_space<hbm>> -> memref<40x128xf32, #tpu.memory_space<hbm>>
        %dma_start3A_169 = arith.constant 0 : i32
        %dma_start3A_170 = tpu.memref_slice %arg3[%mul3A_158, %dma_start3A_169] : memref<320000x128xf32, #tpu.memory_space<hbm>> -> memref<40x128xf32, #tpu.memory_space<hbm>>
        tpu.enqueue_dma source(%dma_start3A_170 : memref<40x128xf32, #tpu.memory_space<hbm>>) target(%arg20 : memref<40x128xf32, #tpu.memory_space<vmem>>) target_semaphore(%arg24 : memref<!tpu.dma_semaphore, #tpu.memory_space<semaphore_mem>>)
      } else {
      }
      %lt3A_127 = arith.constant 250 : i32
      %lt3A_128 = arith.cmpi slt, %add3A_117, %lt3A_127 : i32
      %convert_element_type3A_129 = arith.extui %lt3A_128 : i1 to i32
      %cond3A_130 = arith.constant 0 : i32
      %cond3A_131 = arith.cmpi ne, %convert_element_type3A_129, %cond3A_130 : i32
      scf.if %cond3A_131 {
        %dma_wait3A_150 = arith.constant 0 : i32
        %dma_wait3A_151 = arith.constant 0 : i32
        %dma_wait3A_152 = tpu.memref_slice %arg2[%dma_wait3A_150, %dma_wait3A_151] : memref<10000x128xf32, #tpu.memory_space<hbm>> -> memref<10000x128xf32, #tpu.memory_space<hbm>>
        tpu.wait_indirect_dma semaphore(%arg28 : memref<!tpu.dma_semaphore, #tpu.memory_space<semaphore_mem>>) src(%dma_wait3A_152 : memref<10000x128xf32, #tpu.memory_space<hbm>>) dst(%arg18 : memref<40x128xf32, #tpu.memory_space<vmem>>)
        %scan3A_153 = arith.constant 0 : i32
        %scan3A_154 = arith.constant 0 : i32
        %scan3A_155 = arith.constant 40 : i32
        %scan3A_156 = arith.addi %scan3A_154, %scan3A_155 : i32
        %scan3A_157 = arith.constant 1 : i32
        scf.for %scan3A_169 = %scan3A_154 to %scan3A_156 step %scan3A_157  : i32 {
          %get3A = arith.index_cast %scan3A_169 : i32 to index
          %get3A_170 = arith.constant 0 : index
          %get3A_171 = tpu.vector_load %arg15[%get3A, %get3A_170] {strides = array<i32>} : memref<40x16xf32, #tpu.memory_space<vmem>>, vector<1x16xf32>,
          %get3A_172 = vector.shape_cast %get3A_171 : vector<1x16xf32> to vector<16xf32>
          %get3A_173 = arith.index_cast %scan3A_169 : i32 to index
          %get3A_174 = arith.constant 0 : index
          %get3A_175 = tpu.vector_load %arg18[%get3A_173, %get3A_174] {strides = array<i32>} : memref<40x128xf32, #tpu.memory_space<vmem>>, vector<1x16xf32>,
          %get3A_176 = vector.shape_cast %get3A_175 : vector<1x16xf32> to vector<16xf32>
          %get3A_177 = arith.index_cast %scan3A_169 : i32 to index
          %get3A_178 = arith.constant 0 : index
          %get3A_179 = tpu.vector_load %arg21[%get3A_177, %get3A_178] {strides = array<i32>} : memref<40x128xf32, #tpu.memory_space<vmem>>, vector<1x16xf32>,
          %get3A_180 = vector.shape_cast %get3A_179 : vector<1x16xf32> to vector<16xf32>
          %add3A_181 = arith.addf %get3A_176, %get3A_180 : vector<16xf32>
          %max3A = arith.constant 0.000000e+00 : f32
          %max3A_182 = vector.broadcast %max3A : f32 to vector<16xf32>
          %max3A_183 = arith.maximumf %add3A_181, %max3A_182 : vector<16xf32>
          %mul3A_184 = arith.mulf %max3A_183, %get3A_172 : vector<16xf32>
          %swap3A = arith.index_cast %scan3A_169 : i32 to index
          %swap3A_185 = arith.constant 0 : index
          %swap3A_186 = tpu.vector_load %arg18[%swap3A, %swap3A_185] {strides = array<i32>} : memref<40x128xf32, #tpu.memory_space<vmem>>, vector<1x16xf32>,
          %swap3A_187 = vector.shape_cast %swap3A_186 : vector<1x16xf32> to vector<16xf32>
          %swap3A_188 = vector.shape_cast %mul3A_184 : vector<16xf32> to vector<1x16xf32>
          tpu.vector_store %arg18[%swap3A, %swap3A_185], %swap3A_188 {strides = array<i32>} : memref<40x128xf32, #tpu.memory_space<vmem>>, vector<1x16xf32>,
          %get3A_189 = arith.index_cast %scan3A_169 : i32 to index
          %get3A_190 = arith.constant 16 : index
          %get3A_191 = tpu.vector_load %arg18[%get3A_189, %get3A_190] {strides = array<i32>} : memref<40x128xf32, #tpu.memory_space<vmem>>, vector<1x16xf32>,
          %get3A_192 = vector.shape_cast %get3A_191 : vector<1x16xf32> to vector<16xf32>
          %get3A_193 = arith.index_cast %scan3A_169 : i32 to index
          %get3A_194 = arith.constant 16 : index
          %get3A_195 = tpu.vector_load %arg21[%get3A_193, %get3A_194] {strides = array<i32>} : memref<40x128xf32, #tpu.memory_space<vmem>>, vector<1x16xf32>,
          %get3A_196 = vector.shape_cast %get3A_195 : vector<1x16xf32> to vector<16xf32>
          %add3A_197 = arith.addf %get3A_192, %get3A_196 : vector<16xf32>
          %max3A_198 = arith.constant 0.000000e+00 : f32
          %max3A_199 = vector.broadcast %max3A_198 : f32 to vector<16xf32>
          %max3A_200 = arith.maximumf %add3A_197, %max3A_199 : vector<16xf32>
          %mul3A_201 = arith.mulf %max3A_200, %get3A_172 : vector<16xf32>
          %swap3A_202 = arith.index_cast %scan3A_169 : i32 to index
          %swap3A_203 = arith.constant 16 : index
          %swap3A_204 = tpu.vector_load %arg18[%swap3A_202, %swap3A_203] {strides = array<i32>} : memref<40x128xf32, #tpu.memory_space<vmem>>, vector<1x16xf32>,
          %swap3A_205 = vector.shape_cast %swap3A_204 : vector<1x16xf32> to vector<16xf32>
          %swap3A_206 = vector.shape_cast %mul3A_201 : vector<16xf32> to vector<1x16xf32>
          tpu.vector_store %arg18[%swap3A_202, %swap3A_203], %swap3A_206 {strides = array<i32>} : memref<40x128xf32, #tpu.memory_space<vmem>>, vector<1x16xf32>,
          %get3A_207 = arith.index_cast %scan3A_169 : i32 to index
          %get3A_208 = arith.constant 32 : index
          %get3A_209 = tpu.vector_load %arg18[%get3A_207, %get3A_208] {strides = array<i32>} : memref<40x128xf32, #tpu.memory_space<vmem>>, vector<1x16xf32>,
          %get3A_210 = vector.shape_cast %get3A_209 : vector<1x16xf32> to vector<16xf32>
          %get3A_211 = arith.index_cast %scan3A_169 : i32 to index
          %get3A_212 = arith.constant 32 : index
          %get3A_213 = tpu.vector_load %arg21[%get3A_211, %get3A_212] {strides = array<i32>} : memref<40x128xf32, #tpu.memory_space<vmem>>, vector<1x16xf32>,
          %get3A_214 = vector.shape_cast %get3A_213 : vector<1x16xf32> to vector<16xf32>
          %add3A_215 = arith.addf %get3A_210, %get3A_214 : vector<16xf32>
          %max3A_216 = arith.constant 0.000000e+00 : f32
          %max3A_217 = vector.broadcast %max3A_216 : f32 to vector<16xf32>
          %max3A_218 = arith.maximumf %add3A_215, %max3A_217 : vector<16xf32>
          %mul3A_219 = arith.mulf %max3A_218, %get3A_172 : vector<16xf32>
          %swap3A_220 = arith.index_cast %scan3A_169 : i32 to index
          %swap3A_221 = arith.constant 32 : index
          %swap3A_222 = tpu.vector_load %arg18[%swap3A_220, %swap3A_221] {strides = array<i32>} : memref<40x128xf32, #tpu.memory_space<vmem>>, vector<1x16xf32>,
          %swap3A_223 = vector.shape_cast %swap3A_222 : vector<1x16xf32> to vector<16xf32>
          %swap3A_224 = vector.shape_cast %mul3A_219 : vector<16xf32> to vector<1x16xf32>
          tpu.vector_store %arg18[%swap3A_220, %swap3A_221], %swap3A_224 {strides = array<i32>} : memref<40x128xf32, #tpu.memory_space<vmem>>, vector<1x16xf32>,
          %get3A_225 = arith.index_cast %scan3A_169 : i32 to index
          %get3A_226 = arith.constant 48 : index
          %get3A_227 = tpu.vector_load %arg18[%get3A_225, %get3A_226] {strides = array<i32>} : memref<40x128xf32, #tpu.memory_space<vmem>>, vector<1x16xf32>,
          %get3A_228 = vector.shape_cast %get3A_227 : vector<1x16xf32> to vector<16xf32>
          %get3A_229 = arith.index_cast %scan3A_169 : i32 to index
          %get3A_230 = arith.constant 48 : index
          %get3A_231 = tpu.vector_load %arg21[%get3A_229, %get3A_230] {strides = array<i32>} : memref<40x128xf32, #tpu.memory_space<vmem>>, vector<1x16xf32>,
          %get3A_232 = vector.shape_cast %get3A_231 : vector<1x16xf32> to vector<16xf32>
          %add3A_233 = arith.addf %get3A_228, %get3A_232 : vector<16xf32>
          %max3A_234 = arith.constant 0.000000e+00 : f32
          %max3A_235 = vector.broadcast %max3A_234 : f32 to vector<16xf32>
          %max3A_236 = arith.maximumf %add3A_233, %max3A_235 : vector<16xf32>
          %mul3A_237 = arith.mulf %max3A_236, %get3A_172 : vector<16xf32>
          %swap3A_238 = arith.index_cast %scan3A_169 : i32 to index
          %swap3A_239 = arith.constant 48 : index
          %swap3A_240 = tpu.vector_load %arg18[%swap3A_238, %swap3A_239] {strides = array<i32>} : memref<40x128xf32, #tpu.memory_space<vmem>>, vector<1x16xf32>,
          %swap3A_241 = vector.shape_cast %swap3A_240 : vector<1x16xf32> to vector<16xf32>
          %swap3A_242 = vector.shape_cast %mul3A_237 : vector<16xf32> to vector<1x16xf32>
          tpu.vector_store %arg18[%swap3A_238, %swap3A_239], %swap3A_242 {strides = array<i32>} : memref<40x128xf32, #tpu.memory_space<vmem>>, vector<1x16xf32>,
          %get3A_243 = arith.index_cast %scan3A_169 : i32 to index
          %get3A_244 = arith.constant 64 : index
          %get3A_245 = tpu.vector_load %arg18[%get3A_243, %get3A_244] {strides = array<i32>} : memref<40x128xf32, #tpu.memory_space<vmem>>, vector<1x16xf32>,
          %get3A_246 = vector.shape_cast %get3A_245 : vector<1x16xf32> to vector<16xf32>
          %get3A_247 = arith.index_cast %scan3A_169 : i32 to index
          %get3A_248 = arith.constant 64 : index
          %get3A_249 = tpu.vector_load %arg21[%get3A_247, %get3A_248] {strides = array<i32>} : memref<40x128xf32, #tpu.memory_space<vmem>>, vector<1x16xf32>,
          %get3A_250 = vector.shape_cast %get3A_249 : vector<1x16xf32> to vector<16xf32>
          %add3A_251 = arith.addf %get3A_246, %get3A_250 : vector<16xf32>
          %max3A_252 = arith.constant 0.000000e+00 : f32
          %max3A_253 = vector.broadcast %max3A_252 : f32 to vector<16xf32>
          %max3A_254 = arith.maximumf %add3A_251, %max3A_253 : vector<16xf32>
          %mul3A_255 = arith.mulf %max3A_254, %get3A_172 : vector<16xf32>
          %swap3A_256 = arith.index_cast %scan3A_169 : i32 to index
          %swap3A_257 = arith.constant 64 : index
          %swap3A_258 = tpu.vector_load %arg18[%swap3A_256, %swap3A_257] {strides = array<i32>} : memref<40x128xf32, #tpu.memory_space<vmem>>, vector<1x16xf32>,
          %swap3A_259 = vector.shape_cast %swap3A_258 : vector<1x16xf32> to vector<16xf32>
          %swap3A_260 = vector.shape_cast %mul3A_255 : vector<16xf32> to vector<1x16xf32>
          tpu.vector_store %arg18[%swap3A_256, %swap3A_257], %swap3A_260 {strides = array<i32>} : memref<40x128xf32, #tpu.memory_space<vmem>>, vector<1x16xf32>,
          %get3A_261 = arith.index_cast %scan3A_169 : i32 to index
          %get3A_262 = arith.constant 80 : index
          %get3A_263 = tpu.vector_load %arg18[%get3A_261, %get3A_262] {strides = array<i32>} : memref<40x128xf32, #tpu.memory_space<vmem>>, vector<1x16xf32>,
          %get3A_264 = vector.shape_cast %get3A_263 : vector<1x16xf32> to vector<16xf32>
          %get3A_265 = arith.index_cast %scan3A_169 : i32 to index
          %get3A_266 = arith.constant 80 : index
          %get3A_267 = tpu.vector_load %arg21[%get3A_265, %get3A_266] {strides = array<i32>} : memref<40x128xf32, #tpu.memory_space<vmem>>, vector<1x16xf32>,
          %get3A_268 = vector.shape_cast %get3A_267 : vector<1x16xf32> to vector<16xf32>
          %add3A_269 = arith.addf %get3A_264, %get3A_268 : vector<16xf32>
          %max3A_270 = arith.constant 0.000000e+00 : f32
          %max3A_271 = vector.broadcast %max3A_270 : f32 to vector<16xf32>
          %max3A_272 = arith.maximumf %add3A_269, %max3A_271 : vector<16xf32>
          %mul3A_273 = arith.mulf %max3A_272, %get3A_172 : vector<16xf32>
          %swap3A_274 = arith.index_cast %scan3A_169 : i32 to index
          %swap3A_275 = arith.constant 80 : index
          %swap3A_276 = tpu.vector_load %arg18[%swap3A_274, %swap3A_275] {strides = array<i32>} : memref<40x128xf32, #tpu.memory_space<vmem>>, vector<1x16xf32>,
          %swap3A_277 = vector.shape_cast %swap3A_276 : vector<1x16xf32> to vector<16xf32>
          %swap3A_278 = vector.shape_cast %mul3A_273 : vector<16xf32> to vector<1x16xf32>
          tpu.vector_store %arg18[%swap3A_274, %swap3A_275], %swap3A_278 {strides = array<i32>} : memref<40x128xf32, #tpu.memory_space<vmem>>, vector<1x16xf32>,
          %get3A_279 = arith.index_cast %scan3A_169 : i32 to index
          %get3A_280 = arith.constant 96 : index
          %get3A_281 = tpu.vector_load %arg18[%get3A_279, %get3A_280] {strides = array<i32>} : memref<40x128xf32, #tpu.memory_space<vmem>>, vector<1x16xf32>,
          %get3A_282 = vector.shape_cast %get3A_281 : vector<1x16xf32> to vector<16xf32>
          %get3A_283 = arith.index_cast %scan3A_169 : i32 to index
          %get3A_284 = arith.constant 96 : index
          %get3A_285 = tpu.vector_load %arg21[%get3A_283, %get3A_284] {strides = array<i32>} : memref<40x128xf32, #tpu.memory_space<vmem>>, vector<1x16xf32>,
          %get3A_286 = vector.shape_cast %get3A_285 : vector<1x16xf32> to vector<16xf32>
          %add3A_287 = arith.addf %get3A_282, %get3A_286 : vector<16xf32>
          %max3A_288 = arith.constant 0.000000e+00 : f32
          %max3A_289 = vector.broadcast %max3A_288 : f32 to vector<16xf32>
          %max3A_290 = arith.maximumf %add3A_287, %max3A_289 : vector<16xf32>
          %mul3A_291 = arith.mulf %max3A_290, %get3A_172 : vector<16xf32>
          %swap3A_292 = arith.index_cast %scan3A_169 : i32 to index
          %swap3A_293 = arith.constant 96 : index
          %swap3A_294 = tpu.vector_load %arg18[%swap3A_292, %swap3A_293] {strides = array<i32>} : memref<40x128xf32, #tpu.memory_space<vmem>>, vector<1x16xf32>,
          %swap3A_295 = vector.shape_cast %swap3A_294 : vector<1x16xf32> to vector<16xf32>
          %swap3A_296 = vector.shape_cast %mul3A_291 : vector<16xf32> to vector<1x16xf32>
          tpu.vector_store %arg18[%swap3A_292, %swap3A_293], %swap3A_296 {strides = array<i32>} : memref<40x128xf32, #tpu.memory_space<vmem>>, vector<1x16xf32>,
          %get3A_297 = arith.index_cast %scan3A_169 : i32 to index
          %get3A_298 = arith.constant 112 : index
          %get3A_299 = tpu.vector_load %arg18[%get3A_297, %get3A_298] {strides = array<i32>} : memref<40x128xf32, #tpu.memory_space<vmem>>, vector<1x16xf32>,
          %get3A_300 = vector.shape_cast %get3A_299 : vector<1x16xf32> to vector<16xf32>
          %get3A_301 = arith.index_cast %scan3A_169 : i32 to index
          %get3A_302 = arith.constant 112 : index
          %get3A_303 = tpu.vector_load %arg21[%get3A_301, %get3A_302] {strides = array<i32>} : memref<40x128xf32, #tpu.memory_space<vmem>>, vector<1x16xf32>,
          %get3A_304 = vector.shape_cast %get3A_303 : vector<1x16xf32> to vector<16xf32>
          %add3A_305 = arith.addf %get3A_300, %get3A_304 : vector<16xf32>
          %max3A_306 = arith.constant 0.000000e+00 : f32
          %max3A_307 = vector.broadcast %max3A_306 : f32 to vector<16xf32>
          %max3A_308 = arith.maximumf %add3A_305, %max3A_307 : vector<16xf32>
          %mul3A_309 = arith.mulf %max3A_308, %get3A_172 : vector<16xf32>
          %swap3A_310 = arith.index_cast %scan3A_169 : i32 to index
          %swap3A_311 = arith.constant 112 : index
          %swap3A_312 = tpu.vector_load %arg18[%swap3A_310, %swap3A_311] {strides = array<i32>} : memref<40x128xf32, #tpu.memory_space<vmem>>, vector<1x16xf32>,
          %swap3A_313 = vector.shape_cast %swap3A_312 : vector<1x16xf32> to vector<16xf32>
          %swap3A_314 = vector.shape_cast %mul3A_309 : vector<16xf32> to vector<1x16xf32>
          tpu.vector_store %arg18[%swap3A_310, %swap3A_311], %swap3A_314 {strides = array<i32>} : memref<40x128xf32, #tpu.memory_space<vmem>>, vector<1x16xf32>,
        }
        %scan3A_158 = arith.constant 40 : i32
        %dma_start3A_159 = arith.constant 0 : i32
        %dma_start3A_160 = arith.constant 0 : i32
        %dma_start3A_161 = tpu.memref_slice %arg23[%dma_start3A_159, %dma_start3A_160] : memref<10000x128xf32, #tpu.memory_space<vmem_shared>> -> memref<10000x128xf32, #tpu.memory_space<vmem_shared>>
        tpu.enqueue_indirect_dma source(%arg18 : memref<40x128xf32, #tpu.memory_space<vmem>>) target(%dma_start3A_161 : memref<10000x128xf32, #tpu.memory_space<vmem_shared>>) offsets(%arg12 : memref<40xi32, #tpu.memory_space<vmem>>) semaphore(%arg31 : memref<!tpu.dma_semaphore, #tpu.memory_space<semaphore_mem>>) {add = true}
        %add3A_162 = arith.constant 1 : i32
        %add3A_163 = arith.addi %add3A_117, %add3A_162 : i32
        %lt3A_164 = arith.constant 250 : i32
        %lt3A_165 = arith.cmpi slt, %add3A_163, %lt3A_164 : i32
        %convert_element_type3A_166 = arith.extui %lt3A_165 : i1 to i32
        %cond3A_167 = arith.constant 0 : i32
        %cond3A_168 = arith.cmpi ne, %convert_element_type3A_166, %cond3A_167 : i32
        scf.if %cond3A_168 {
          %dma_wait3A_169 = arith.constant 0 : i32
          %dma_wait3A_170 = tpu.memref_slice %arg5[%dma_wait3A_169] : memref<320000xi32, #tpu.memory_space<hbm>> -> memref<40xi32, #tpu.memory_space<hbm>>
          %dma_wait3A_171 = arith.constant 0 : i32
          %dma_wait3A_172 = tpu.memref_slice %arg5[%dma_wait3A_171] : memref<320000xi32, #tpu.memory_space<hbm>> -> memref<40xi32, #tpu.memory_space<hbm>>
          tpu.wait_dma2 semaphore(%arg26 : memref<!tpu.dma_semaphore, #tpu.memory_space<semaphore_mem>>) src(%dma_wait3A_172 : memref<40xi32, #tpu.memory_space<hbm>>) dst(%arg10 : memref<40xi32, #tpu.memory_space<vmem>>)
          %dma_wait3A_173 = arith.constant 0 : i32
          %dma_wait3A_174 = tpu.memref_slice %arg6[%dma_wait3A_173] : memref<320000xi32, #tpu.memory_space<hbm>> -> memref<40xi32, #tpu.memory_space<hbm>>
          %dma_wait3A_175 = arith.constant 0 : i32
          %dma_wait3A_176 = tpu.memref_slice %arg6[%dma_wait3A_175] : memref<320000xi32, #tpu.memory_space<hbm>> -> memref<40xi32, #tpu.memory_space<hbm>>
          tpu.wait_dma2 semaphore(%arg26 : memref<!tpu.dma_semaphore, #tpu.memory_space<semaphore_mem>>) src(%dma_wait3A_176 : memref<40xi32, #tpu.memory_space<hbm>>) dst(%arg13 : memref<40xi32, #tpu.memory_space<vmem>>)
          %dma_wait3A_177 = arith.constant 0 : i32
          %dma_wait3A_178 = arith.constant 0 : i32
          %dma_wait3A_179 = tpu.memref_slice %arg4[%dma_wait3A_177, %dma_wait3A_178] : memref<320000x16xf32, #tpu.memory_space<hbm>> -> memref<40x16xf32, #tpu.memory_space<hbm>>
          %dma_wait3A_180 = arith.constant 0 : i32
          %dma_wait3A_181 = arith.constant 0 : i32
          %dma_wait3A_182 = tpu.memref_slice %arg4[%dma_wait3A_180, %dma_wait3A_181] : memref<320000x16xf32, #tpu.memory_space<hbm>> -> memref<40x16xf32, #tpu.memory_space<hbm>>
          tpu.wait_dma2 semaphore(%arg26 : memref<!tpu.dma_semaphore, #tpu.memory_space<semaphore_mem>>) src(%dma_wait3A_182 : memref<40x16xf32, #tpu.memory_space<hbm>>) dst(%arg16 : memref<40x16xf32, #tpu.memory_space<vmem>>)
          %dma_wait3A_183 = arith.constant 0 : i32
          %dma_wait3A_184 = arith.constant 0 : i32
          %dma_wait3A_185 = tpu.memref_slice %arg3[%dma_wait3A_183, %dma_wait3A_184] : memref<320000x128xf32, #tpu.memory_space<hbm>> -> memref<40x128xf32, #tpu.memory_space<hbm>>
          %dma_wait3A_186 = arith.constant 0 : i32
          %dma_wait3A_187 = arith.constant 0 : i32
          %dma_wait3A_188 = tpu.memref_slice %arg3[%dma_wait3A_186, %dma_wait3A_187] : memref<320000x128xf32, #tpu.memory_space<hbm>> -> memref<40x128xf32, #tpu.memory_space<hbm>>
          tpu.wait_dma2 semaphore(%arg26 : memref<!tpu.dma_semaphore, #tpu.memory_space<semaphore_mem>>) src(%dma_wait3A_188 : memref<40x128xf32, #tpu.memory_space<hbm>>) dst(%arg22 : memref<40x128xf32, #tpu.memory_space<vmem>>)
          %dma_start3A_189 = arith.constant 0 : i32
          %dma_start3A_190 = arith.constant 0 : i32
          %dma_start3A_191 = tpu.memref_slice %arg2[%dma_start3A_189, %dma_start3A_190] : memref<10000x128xf32, #tpu.memory_space<hbm>> -> memref<10000x128xf32, #tpu.memory_space<hbm>>
          tpu.enqueue_indirect_dma source(%dma_start3A_191 : memref<10000x128xf32, #tpu.memory_space<hbm>>) target(%arg19 : memref<40x128xf32, #tpu.memory_space<vmem>>) offsets(%arg10 : memref<40xi32, #tpu.memory_space<vmem>>) semaphore(%arg29 : memref<!tpu.dma_semaphore, #tpu.memory_space<semaphore_mem>>)
        } else {
        }
      } else {
      }
      %mul3A_132 = arith.constant 3 : i32
      %mul3A_133 = arith.muli %scan3A_98, %mul3A_132 : i32
      %add3A_134 = arith.constant 2 : i32
      %add3A_135 = arith.addi %mul3A_133, %add3A_134 : i32
      %add3A_136 = arith.constant 3 : i32
      %add3A_137 = arith.addi %add3A_135, %add3A_136 : i32
      %sub3A_138 = arith.constant 1 : i32
      %sub3A_139 = arith.subi %add3A_137, %sub3A_138 : i32
      %lt3A_140 = arith.constant 250 : i32
      %lt3A_141 = arith.cmpi slt, %sub3A_139, %lt3A_140 : i32
      %convert_element_type3A_142 = arith.extui %lt3A_141 : i1 to i32
      %cond3A_143 = arith.constant 0 : i32
      %cond3A_144 = arith.cmpi ne, %convert_element_type3A_142, %cond3A_143 : i32
      scf.if %cond3A_144 {
        %ge3A = arith.constant 3 : i32
        %ge3A_150 = arith.cmpi sge, %sub3A_139, %ge3A : i32
        %convert_element_type3A_151 = arith.extui %ge3A_150 : i1 to i32
        %cond3A_152 = arith.constant 0 : i32
        %cond3A_153 = arith.cmpi ne, %convert_element_type3A_151, %cond3A_152 : i32
        scf.if %cond3A_153 {
          %dma_wait3A_171 = arith.constant 0 : i32
          %dma_wait3A_172 = arith.constant 0 : i32
          %dma_wait3A_173 = tpu.memref_slice %arg23[%dma_wait3A_171, %dma_wait3A_172] : memref<10000x128xf32, #tpu.memory_space<vmem_shared>> -> memref<10000x128xf32, #tpu.memory_space<vmem_shared>>
          tpu.wait_indirect_dma semaphore(%arg31 : memref<!tpu.dma_semaphore, #tpu.memory_space<semaphore_mem>>) src(%arg18 : memref<40x128xf32, #tpu.memory_space<vmem>>) dst(%dma_wait3A_173 : memref<10000x128xf32, #tpu.memory_space<vmem_shared>>)
        } else {
        }
        %mul3A_154 = arith.constant 32 : i32
        %mul3A_155 = arith.muli %sub3A_139, %mul3A_154 : i32
        %add3A_156 = arith.addi %mul3A_155, %add3A_18 : i32
        %mul3A_157 = arith.constant 40 : i32
        %mul3A_158 = arith.muli %add3A_156, %mul3A_157 : i32
        %dma_start3A_159 = tpu.memref_slice %arg5[%mul3A_158] : memref<320000xi32, #tpu.memory_space<hbm>> -> memref<40xi32, #tpu.memory_space<hbm>>
        %dma_start3A_160 = tpu.memref_slice %arg5[%mul3A_158] : memref<320000xi32, #tpu.memory_space<hbm>> -> memref<40xi32, #tpu.memory_space<hbm>>
        tpu.enqueue_dma source(%dma_start3A_160 : memref<40xi32, #tpu.memory_space<hbm>>) target(%arg9 : memref<40xi32, #tpu.memory_space<vmem>>) target_semaphore(%arg25 : memref<!tpu.dma_semaphore, #tpu.memory_space<semaphore_mem>>)
        %dma_start3A_161 = tpu.memref_slice %arg6[%mul3A_158] : memref<320000xi32, #tpu.memory_space<hbm>> -> memref<40xi32, #tpu.memory_space<hbm>>
        %dma_start3A_162 = tpu.memref_slice %arg6[%mul3A_158] : memref<320000xi32, #tpu.memory_space<hbm>> -> memref<40xi32, #tpu.memory_space<hbm>>
        tpu.enqueue_dma source(%dma_start3A_162 : memref<40xi32, #tpu.memory_space<hbm>>) target(%arg12 : memref<40xi32, #tpu.memory_space<vmem>>) target_semaphore(%arg25 : memref<!tpu.dma_semaphore, #tpu.memory_space<semaphore_mem>>)
        %dma_start3A_163 = arith.constant 0 : i32
        %dma_start3A_164 = tpu.memref_slice %arg4[%mul3A_158, %dma_start3A_163] : memref<320000x16xf32, #tpu.memory_space<hbm>> -> memref<40x16xf32, #tpu.memory_space<hbm>>
        %dma_start3A_165 = arith.constant 0 : i32
        %dma_start3A_166 = tpu.memref_slice %arg4[%mul3A_158, %dma_start3A_165] : memref<320000x16xf32, #tpu.memory_space<hbm>> -> memref<40x16xf32, #tpu.memory_space<hbm>>
        tpu.enqueue_dma source(%dma_start3A_166 : memref<40x16xf32, #tpu.memory_space<hbm>>) target(%arg15 : memref<40x16xf32, #tpu.memory_space<vmem>>) target_semaphore(%arg25 : memref<!tpu.dma_semaphore, #tpu.memory_space<semaphore_mem>>)
        %dma_start3A_167 = arith.constant 0 : i32
        %dma_start3A_168 = tpu.memref_slice %arg3[%mul3A_158, %dma_start3A_167] : memref<320000x128xf32, #tpu.memory_space<hbm>> -> memref<40x128xf32, #tpu.memory_space<hbm>>
        %dma_start3A_169 = arith.constant 0 : i32
        %dma_start3A_170 = tpu.memref_slice %arg3[%mul3A_158, %dma_start3A_169] : memref<320000x128xf32, #tpu.memory_space<hbm>> -> memref<40x128xf32, #tpu.memory_space<hbm>>
        tpu.enqueue_dma source(%dma_start3A_170 : memref<40x128xf32, #tpu.memory_space<hbm>>) target(%arg21 : memref<40x128xf32, #tpu.memory_space<vmem>>) target_semaphore(%arg25 : memref<!tpu.dma_semaphore, #tpu.memory_space<semaphore_mem>>)
      } else {
      }
      %lt3A_145 = arith.constant 250 : i32
      %lt3A_146 = arith.cmpi slt, %add3A_135, %lt3A_145 : i32
      %convert_element_type3A_147 = arith.extui %lt3A_146 : i1 to i32
      %cond3A_148 = arith.constant 0 : i32
      %cond3A_149 = arith.cmpi ne, %convert_element_type3A_147, %cond3A_148 : i32
      scf.if %cond3A_149 {
        %dma_wait3A_150 = arith.constant 0 : i32
        %dma_wait3A_151 = arith.constant 0 : i32
        %dma_wait3A_152 = tpu.memref_slice %arg2[%dma_wait3A_150, %dma_wait3A_151] : memref<10000x128xf32, #tpu.memory_space<hbm>> -> memref<10000x128xf32, #tpu.memory_space<hbm>>
        tpu.wait_indirect_dma semaphore(%arg29 : memref<!tpu.dma_semaphore, #tpu.memory_space<semaphore_mem>>) src(%dma_wait3A_152 : memref<10000x128xf32, #tpu.memory_space<hbm>>) dst(%arg19 : memref<40x128xf32, #tpu.memory_space<vmem>>)
        %scan3A_153 = arith.constant 0 : i32
        %scan3A_154 = arith.constant 0 : i32
        %scan3A_155 = arith.constant 40 : i32
        %scan3A_156 = arith.addi %scan3A_154, %scan3A_155 : i32
        %scan3A_157 = arith.constant 1 : i32
        scf.for %scan3A_169 = %scan3A_154 to %scan3A_156 step %scan3A_157  : i32 {
          %get3A = arith.index_cast %scan3A_169 : i32 to index
          %get3A_170 = arith.constant 0 : index
          %get3A_171 = tpu.vector_load %arg16[%get3A, %get3A_170] {strides = array<i32>} : memref<40x16xf32, #tpu.memory_space<vmem>>, vector<1x16xf32>,
          %get3A_172 = vector.shape_cast %get3A_171 : vector<1x16xf32> to vector<16xf32>
          %get3A_173 = arith.index_cast %scan3A_169 : i32 to index
          %get3A_174 = arith.constant 0 : index
          %get3A_175 = tpu.vector_load %arg19[%get3A_173, %get3A_174] {strides = array<i32>} : memref<40x128xf32, #tpu.memory_space<vmem>>, vector<1x16xf32>,
          %get3A_176 = vector.shape_cast %get3A_175 : vector<1x16xf32> to vector<16xf32>
          %get3A_177 = arith.index_cast %scan3A_169 : i32 to index
          %get3A_178 = arith.constant 0 : index
          %get3A_179 = tpu.vector_load %arg22[%get3A_177, %get3A_178] {strides = array<i32>} : memref<40x128xf32, #tpu.memory_space<vmem>>, vector<1x16xf32>,
          %get3A_180 = vector.shape_cast %get3A_179 : vector<1x16xf32> to vector<16xf32>
          %add3A_181 = arith.addf %get3A_176, %get3A_180 : vector<16xf32>
          %max3A = arith.constant 0.000000e+00 : f32
          %max3A_182 = vector.broadcast %max3A : f32 to vector<16xf32>
          %max3A_183 = arith.maximumf %add3A_181, %max3A_182 : vector<16xf32>
          %mul3A_184 = arith.mulf %max3A_183, %get3A_172 : vector<16xf32>
          %swap3A = arith.index_cast %scan3A_169 : i32 to index
          %swap3A_185 = arith.constant 0 : index
          %swap3A_186 = tpu.vector_load %arg19[%swap3A, %swap3A_185] {strides = array<i32>} : memref<40x128xf32, #tpu.memory_space<vmem>>, vector<1x16xf32>,
          %swap3A_187 = vector.shape_cast %swap3A_186 : vector<1x16xf32> to vector<16xf32>
          %swap3A_188 = vector.shape_cast %mul3A_184 : vector<16xf32> to vector<1x16xf32>
          tpu.vector_store %arg19[%swap3A, %swap3A_185], %swap3A_188 {strides = array<i32>} : memref<40x128xf32, #tpu.memory_space<vmem>>, vector<1x16xf32>,
          %get3A_189 = arith.index_cast %scan3A_169 : i32 to index
          %get3A_190 = arith.constant 16 : index
          %get3A_191 = tpu.vector_load %arg19[%get3A_189, %get3A_190] {strides = array<i32>} : memref<40x128xf32, #tpu.memory_space<vmem>>, vector<1x16xf32>,
          %get3A_192 = vector.shape_cast %get3A_191 : vector<1x16xf32> to vector<16xf32>
          %get3A_193 = arith.index_cast %scan3A_169 : i32 to index
          %get3A_194 = arith.constant 16 : index
          %get3A_195 = tpu.vector_load %arg22[%get3A_193, %get3A_194] {strides = array<i32>} : memref<40x128xf32, #tpu.memory_space<vmem>>, vector<1x16xf32>,
          %get3A_196 = vector.shape_cast %get3A_195 : vector<1x16xf32> to vector<16xf32>
          %add3A_197 = arith.addf %get3A_192, %get3A_196 : vector<16xf32>
          %max3A_198 = arith.constant 0.000000e+00 : f32
          %max3A_199 = vector.broadcast %max3A_198 : f32 to vector<16xf32>
          %max3A_200 = arith.maximumf %add3A_197, %max3A_199 : vector<16xf32>
          %mul3A_201 = arith.mulf %max3A_200, %get3A_172 : vector<16xf32>
          %swap3A_202 = arith.index_cast %scan3A_169 : i32 to index
          %swap3A_203 = arith.constant 16 : index
          %swap3A_204 = tpu.vector_load %arg19[%swap3A_202, %swap3A_203] {strides = array<i32>} : memref<40x128xf32, #tpu.memory_space<vmem>>, vector<1x16xf32>,
          %swap3A_205 = vector.shape_cast %swap3A_204 : vector<1x16xf32> to vector<16xf32>
          %swap3A_206 = vector.shape_cast %mul3A_201 : vector<16xf32> to vector<1x16xf32>
          tpu.vector_store %arg19[%swap3A_202, %swap3A_203], %swap3A_206 {strides = array<i32>} : memref<40x128xf32, #tpu.memory_space<vmem>>, vector<1x16xf32>,
          %get3A_207 = arith.index_cast %scan3A_169 : i32 to index
          %get3A_208 = arith.constant 32 : index
          %get3A_209 = tpu.vector_load %arg19[%get3A_207, %get3A_208] {strides = array<i32>} : memref<40x128xf32, #tpu.memory_space<vmem>>, vector<1x16xf32>,
          %get3A_210 = vector.shape_cast %get3A_209 : vector<1x16xf32> to vector<16xf32>
          %get3A_211 = arith.index_cast %scan3A_169 : i32 to index
          %get3A_212 = arith.constant 32 : index
          %get3A_213 = tpu.vector_load %arg22[%get3A_211, %get3A_212] {strides = array<i32>} : memref<40x128xf32, #tpu.memory_space<vmem>>, vector<1x16xf32>,
          %get3A_214 = vector.shape_cast %get3A_213 : vector<1x16xf32> to vector<16xf32>
          %add3A_215 = arith.addf %get3A_210, %get3A_214 : vector<16xf32>
          %max3A_216 = arith.constant 0.000000e+00 : f32
          %max3A_217 = vector.broadcast %max3A_216 : f32 to vector<16xf32>
          %max3A_218 = arith.maximumf %add3A_215, %max3A_217 : vector<16xf32>
          %mul3A_219 = arith.mulf %max3A_218, %get3A_172 : vector<16xf32>
          %swap3A_220 = arith.index_cast %scan3A_169 : i32 to index
          %swap3A_221 = arith.constant 32 : index
          %swap3A_222 = tpu.vector_load %arg19[%swap3A_220, %swap3A_221] {strides = array<i32>} : memref<40x128xf32, #tpu.memory_space<vmem>>, vector<1x16xf32>,
          %swap3A_223 = vector.shape_cast %swap3A_222 : vector<1x16xf32> to vector<16xf32>
          %swap3A_224 = vector.shape_cast %mul3A_219 : vector<16xf32> to vector<1x16xf32>
          tpu.vector_store %arg19[%swap3A_220, %swap3A_221], %swap3A_224 {strides = array<i32>} : memref<40x128xf32, #tpu.memory_space<vmem>>, vector<1x16xf32>,
          %get3A_225 = arith.index_cast %scan3A_169 : i32 to index
          %get3A_226 = arith.constant 48 : index
          %get3A_227 = tpu.vector_load %arg19[%get3A_225, %get3A_226] {strides = array<i32>} : memref<40x128xf32, #tpu.memory_space<vmem>>, vector<1x16xf32>,
          %get3A_228 = vector.shape_cast %get3A_227 : vector<1x16xf32> to vector<16xf32>
          %get3A_229 = arith.index_cast %scan3A_169 : i32 to index
          %get3A_230 = arith.constant 48 : index
          %get3A_231 = tpu.vector_load %arg22[%get3A_229, %get3A_230] {strides = array<i32>} : memref<40x128xf32, #tpu.memory_space<vmem>>, vector<1x16xf32>,
          %get3A_232 = vector.shape_cast %get3A_231 : vector<1x16xf32> to vector<16xf32>
          %add3A_233 = arith.addf %get3A_228, %get3A_232 : vector<16xf32>
          %max3A_234 = arith.constant 0.000000e+00 : f32
          %max3A_235 = vector.broadcast %max3A_234 : f32 to vector<16xf32>
          %max3A_236 = arith.maximumf %add3A_233, %max3A_235 : vector<16xf32>
          %mul3A_237 = arith.mulf %max3A_236, %get3A_172 : vector<16xf32>
          %swap3A_238 = arith.index_cast %scan3A_169 : i32 to index
          %swap3A_239 = arith.constant 48 : index
          %swap3A_240 = tpu.vector_load %arg19[%swap3A_238, %swap3A_239] {strides = array<i32>} : memref<40x128xf32, #tpu.memory_space<vmem>>, vector<1x16xf32>,
          %swap3A_241 = vector.shape_cast %swap3A_240 : vector<1x16xf32> to vector<16xf32>
          %swap3A_242 = vector.shape_cast %mul3A_237 : vector<16xf32> to vector<1x16xf32>
          tpu.vector_store %arg19[%swap3A_238, %swap3A_239], %swap3A_242 {strides = array<i32>} : memref<40x128xf32, #tpu.memory_space<vmem>>, vector<1x16xf32>,
          %get3A_243 = arith.index_cast %scan3A_169 : i32 to index
          %get3A_244 = arith.constant 64 : index
          %get3A_245 = tpu.vector_load %arg19[%get3A_243, %get3A_244] {strides = array<i32>} : memref<40x128xf32, #tpu.memory_space<vmem>>, vector<1x16xf32>,
          %get3A_246 = vector.shape_cast %get3A_245 : vector<1x16xf32> to vector<16xf32>
          %get3A_247 = arith.index_cast %scan3A_169 : i32 to index
          %get3A_248 = arith.constant 64 : index
          %get3A_249 = tpu.vector_load %arg22[%get3A_247, %get3A_248] {strides = array<i32>} : memref<40x128xf32, #tpu.memory_space<vmem>>, vector<1x16xf32>,
          %get3A_250 = vector.shape_cast %get3A_249 : vector<1x16xf32> to vector<16xf32>
          %add3A_251 = arith.addf %get3A_246, %get3A_250 : vector<16xf32>
          %max3A_252 = arith.constant 0.000000e+00 : f32
          %max3A_253 = vector.broadcast %max3A_252 : f32 to vector<16xf32>
          %max3A_254 = arith.maximumf %add3A_251, %max3A_253 : vector<16xf32>
          %mul3A_255 = arith.mulf %max3A_254, %get3A_172 : vector<16xf32>
          %swap3A_256 = arith.index_cast %scan3A_169 : i32 to index
          %swap3A_257 = arith.constant 64 : index
          %swap3A_258 = tpu.vector_load %arg19[%swap3A_256, %swap3A_257] {strides = array<i32>} : memref<40x128xf32, #tpu.memory_space<vmem>>, vector<1x16xf32>,
          %swap3A_259 = vector.shape_cast %swap3A_258 : vector<1x16xf32> to vector<16xf32>
          %swap3A_260 = vector.shape_cast %mul3A_255 : vector<16xf32> to vector<1x16xf32>
          tpu.vector_store %arg19[%swap3A_256, %swap3A_257], %swap3A_260 {strides = array<i32>} : memref<40x128xf32, #tpu.memory_space<vmem>>, vector<1x16xf32>,
          %get3A_261 = arith.index_cast %scan3A_169 : i32 to index
          %get3A_262 = arith.constant 80 : index
          %get3A_263 = tpu.vector_load %arg19[%get3A_261, %get3A_262] {strides = array<i32>} : memref<40x128xf32, #tpu.memory_space<vmem>>, vector<1x16xf32>,
          %get3A_264 = vector.shape_cast %get3A_263 : vector<1x16xf32> to vector<16xf32>
          %get3A_265 = arith.index_cast %scan3A_169 : i32 to index
          %get3A_266 = arith.constant 80 : index
          %get3A_267 = tpu.vector_load %arg22[%get3A_265, %get3A_266] {strides = array<i32>} : memref<40x128xf32, #tpu.memory_space<vmem>>, vector<1x16xf32>,
          %get3A_268 = vector.shape_cast %get3A_267 : vector<1x16xf32> to vector<16xf32>
          %add3A_269 = arith.addf %get3A_264, %get3A_268 : vector<16xf32>
          %max3A_270 = arith.constant 0.000000e+00 : f32
          %max3A_271 = vector.broadcast %max3A_270 : f32 to vector<16xf32>
          %max3A_272 = arith.maximumf %add3A_269, %max3A_271 : vector<16xf32>
          %mul3A_273 = arith.mulf %max3A_272, %get3A_172 : vector<16xf32>
          %swap3A_274 = arith.index_cast %scan3A_169 : i32 to index
          %swap3A_275 = arith.constant 80 : index
          %swap3A_276 = tpu.vector_load %arg19[%swap3A_274, %swap3A_275] {strides = array<i32>} : memref<40x128xf32, #tpu.memory_space<vmem>>, vector<1x16xf32>,
          %swap3A_277 = vector.shape_cast %swap3A_276 : vector<1x16xf32> to vector<16xf32>
          %swap3A_278 = vector.shape_cast %mul3A_273 : vector<16xf32> to vector<1x16xf32>
          tpu.vector_store %arg19[%swap3A_274, %swap3A_275], %swap3A_278 {strides = array<i32>} : memref<40x128xf32, #tpu.memory_space<vmem>>, vector<1x16xf32>,
          %get3A_279 = arith.index_cast %scan3A_169 : i32 to index
          %get3A_280 = arith.constant 96 : index
          %get3A_281 = tpu.vector_load %arg19[%get3A_279, %get3A_280] {strides = array<i32>} : memref<40x128xf32, #tpu.memory_space<vmem>>, vector<1x16xf32>,
          %get3A_282 = vector.shape_cast %get3A_281 : vector<1x16xf32> to vector<16xf32>
          %get3A_283 = arith.index_cast %scan3A_169 : i32 to index
          %get3A_284 = arith.constant 96 : index
          %get3A_285 = tpu.vector_load %arg22[%get3A_283, %get3A_284] {strides = array<i32>} : memref<40x128xf32, #tpu.memory_space<vmem>>, vector<1x16xf32>,
          %get3A_286 = vector.shape_cast %get3A_285 : vector<1x16xf32> to vector<16xf32>
          %add3A_287 = arith.addf %get3A_282, %get3A_286 : vector<16xf32>
          %max3A_288 = arith.constant 0.000000e+00 : f32
          %max3A_289 = vector.broadcast %max3A_288 : f32 to vector<16xf32>
          %max3A_290 = arith.maximumf %add3A_287, %max3A_289 : vector<16xf32>
          %mul3A_291 = arith.mulf %max3A_290, %get3A_172 : vector<16xf32>
          %swap3A_292 = arith.index_cast %scan3A_169 : i32 to index
          %swap3A_293 = arith.constant 96 : index
          %swap3A_294 = tpu.vector_load %arg19[%swap3A_292, %swap3A_293] {strides = array<i32>} : memref<40x128xf32, #tpu.memory_space<vmem>>, vector<1x16xf32>,
          %swap3A_295 = vector.shape_cast %swap3A_294 : vector<1x16xf32> to vector<16xf32>
          %swap3A_296 = vector.shape_cast %mul3A_291 : vector<16xf32> to vector<1x16xf32>
          tpu.vector_store %arg19[%swap3A_292, %swap3A_293], %swap3A_296 {strides = array<i32>} : memref<40x128xf32, #tpu.memory_space<vmem>>, vector<1x16xf32>,
          %get3A_297 = arith.index_cast %scan3A_169 : i32 to index
          %get3A_298 = arith.constant 112 : index
          %get3A_299 = tpu.vector_load %arg19[%get3A_297, %get3A_298] {strides = array<i32>} : memref<40x128xf32, #tpu.memory_space<vmem>>, vector<1x16xf32>,
          %get3A_300 = vector.shape_cast %get3A_299 : vector<1x16xf32> to vector<16xf32>
          %get3A_301 = arith.index_cast %scan3A_169 : i32 to index
          %get3A_302 = arith.constant 112 : index
          %get3A_303 = tpu.vector_load %arg22[%get3A_301, %get3A_302] {strides = array<i32>} : memref<40x128xf32, #tpu.memory_space<vmem>>, vector<1x16xf32>,
          %get3A_304 = vector.shape_cast %get3A_303 : vector<1x16xf32> to vector<16xf32>
          %add3A_305 = arith.addf %get3A_300, %get3A_304 : vector<16xf32>
          %max3A_306 = arith.constant 0.000000e+00 : f32
          %max3A_307 = vector.broadcast %max3A_306 : f32 to vector<16xf32>
          %max3A_308 = arith.maximumf %add3A_305, %max3A_307 : vector<16xf32>
          %mul3A_309 = arith.mulf %max3A_308, %get3A_172 : vector<16xf32>
          %swap3A_310 = arith.index_cast %scan3A_169 : i32 to index
          %swap3A_311 = arith.constant 112 : index
          %swap3A_312 = tpu.vector_load %arg19[%swap3A_310, %swap3A_311] {strides = array<i32>} : memref<40x128xf32, #tpu.memory_space<vmem>>, vector<1x16xf32>,
          %swap3A_313 = vector.shape_cast %swap3A_312 : vector<1x16xf32> to vector<16xf32>
          %swap3A_314 = vector.shape_cast %mul3A_309 : vector<16xf32> to vector<1x16xf32>
          tpu.vector_store %arg19[%swap3A_310, %swap3A_311], %swap3A_314 {strides = array<i32>} : memref<40x128xf32, #tpu.memory_space<vmem>>, vector<1x16xf32>,
        }
        %scan3A_158 = arith.constant 40 : i32
        %dma_start3A_159 = arith.constant 0 : i32
        %dma_start3A_160 = arith.constant 0 : i32
        %dma_start3A_161 = tpu.memref_slice %arg23[%dma_start3A_159, %dma_start3A_160] : memref<10000x128xf32, #tpu.memory_space<vmem_shared>> -> memref<10000x128xf32, #tpu.memory_space<vmem_shared>>
        tpu.enqueue_indirect_dma source(%arg19 : memref<40x128xf32, #tpu.memory_space<vmem>>) target(%dma_start3A_161 : memref<10000x128xf32, #tpu.memory_space<vmem_shared>>) offsets(%arg13 : memref<40xi32, #tpu.memory_space<vmem>>) semaphore(%arg32 : memref<!tpu.dma_semaphore, #tpu.memory_space<semaphore_mem>>) {add = true}
        %add3A_162 = arith.constant 1 : i32
        %add3A_163 = arith.addi %add3A_135, %add3A_162 : i32
        %lt3A_164 = arith.constant 250 : i32
        %lt3A_165 = arith.cmpi slt, %add3A_163, %lt3A_164 : i32
        %convert_element_type3A_166 = arith.extui %lt3A_165 : i1 to i32
        %cond3A_167 = arith.constant 0 : i32
        %cond3A_168 = arith.cmpi ne, %convert_element_type3A_166, %cond3A_167 : i32
        scf.if %cond3A_168 {
          %dma_wait3A_169 = arith.constant 0 : i32
          %dma_wait3A_170 = tpu.memref_slice %arg5[%dma_wait3A_169] : memref<320000xi32, #tpu.memory_space<hbm>> -> memref<40xi32, #tpu.memory_space<hbm>>
          %dma_wait3A_171 = arith.constant 0 : i32
          %dma_wait3A_172 = tpu.memref_slice %arg5[%dma_wait3A_171] : memref<320000xi32, #tpu.memory_space<hbm>> -> memref<40xi32, #tpu.memory_space<hbm>>
          tpu.wait_dma2 semaphore(%arg24 : memref<!tpu.dma_semaphore, #tpu.memory_space<semaphore_mem>>) src(%dma_wait3A_172 : memref<40xi32, #tpu.memory_space<hbm>>) dst(%arg8 : memref<40xi32, #tpu.memory_space<vmem>>)
          %dma_wait3A_173 = arith.constant 0 : i32
          %dma_wait3A_174 = tpu.memref_slice %arg6[%dma_wait3A_173] : memref<320000xi32, #tpu.memory_space<hbm>> -> memref<40xi32, #tpu.memory_space<hbm>>
          %dma_wait3A_175 = arith.constant 0 : i32
          %dma_wait3A_176 = tpu.memref_slice %arg6[%dma_wait3A_175] : memref<320000xi32, #tpu.memory_space<hbm>> -> memref<40xi32, #tpu.memory_space<hbm>>
          tpu.wait_dma2 semaphore(%arg24 : memref<!tpu.dma_semaphore, #tpu.memory_space<semaphore_mem>>) src(%dma_wait3A_176 : memref<40xi32, #tpu.memory_space<hbm>>) dst(%arg11 : memref<40xi32, #tpu.memory_space<vmem>>)
          %dma_wait3A_177 = arith.constant 0 : i32
          %dma_wait3A_178 = arith.constant 0 : i32
          %dma_wait3A_179 = tpu.memref_slice %arg4[%dma_wait3A_177, %dma_wait3A_178] : memref<320000x16xf32, #tpu.memory_space<hbm>> -> memref<40x16xf32, #tpu.memory_space<hbm>>
          %dma_wait3A_180 = arith.constant 0 : i32
          %dma_wait3A_181 = arith.constant 0 : i32
          %dma_wait3A_182 = tpu.memref_slice %arg4[%dma_wait3A_180, %dma_wait3A_181] : memref<320000x16xf32, #tpu.memory_space<hbm>> -> memref<40x16xf32, #tpu.memory_space<hbm>>
          tpu.wait_dma2 semaphore(%arg24 : memref<!tpu.dma_semaphore, #tpu.memory_space<semaphore_mem>>) src(%dma_wait3A_182 : memref<40x16xf32, #tpu.memory_space<hbm>>) dst(%arg14 : memref<40x16xf32, #tpu.memory_space<vmem>>)
          %dma_wait3A_183 = arith.constant 0 : i32
          %dma_wait3A_184 = arith.constant 0 : i32
          %dma_wait3A_185 = tpu.memref_slice %arg3[%dma_wait3A_183, %dma_wait3A_184] : memref<320000x128xf32, #tpu.memory_space<hbm>> -> memref<40x128xf32, #tpu.memory_space<hbm>>
          %dma_wait3A_186 = arith.constant 0 : i32
          %dma_wait3A_187 = arith.constant 0 : i32
          %dma_wait3A_188 = tpu.memref_slice %arg3[%dma_wait3A_186, %dma_wait3A_187] : memref<320000x128xf32, #tpu.memory_space<hbm>> -> memref<40x128xf32, #tpu.memory_space<hbm>>
          tpu.wait_dma2 semaphore(%arg24 : memref<!tpu.dma_semaphore, #tpu.memory_space<semaphore_mem>>) src(%dma_wait3A_188 : memref<40x128xf32, #tpu.memory_space<hbm>>) dst(%arg20 : memref<40x128xf32, #tpu.memory_space<vmem>>)
          %dma_start3A_189 = arith.constant 0 : i32
          %dma_start3A_190 = arith.constant 0 : i32
          %dma_start3A_191 = tpu.memref_slice %arg2[%dma_start3A_189, %dma_start3A_190] : memref<10000x128xf32, #tpu.memory_space<hbm>> -> memref<10000x128xf32, #tpu.memory_space<hbm>>
          tpu.enqueue_indirect_dma source(%dma_start3A_191 : memref<10000x128xf32, #tpu.memory_space<hbm>>) target(%arg17 : memref<40x128xf32, #tpu.memory_space<vmem>>) offsets(%arg8 : memref<40xi32, #tpu.memory_space<vmem>>) semaphore(%arg27 : memref<!tpu.dma_semaphore, #tpu.memory_space<semaphore_mem>>)
        } else {
        }
      } else {
      }
    }
    %scan3A_77 = arith.constant 84 : i32
    %dma_wait3A_78 = arith.constant 0 : i32
    %dma_wait3A_79 = arith.constant 0 : i32
    %dma_wait3A_80 = tpu.memref_slice %arg23[%dma_wait3A_78, %dma_wait3A_79] : memref<10000x128xf32, #tpu.memory_space<vmem_shared>> -> memref<10000x128xf32, #tpu.memory_space<vmem_shared>>
    tpu.wait_indirect_dma semaphore(%arg30 : memref<!tpu.dma_semaphore, #tpu.memory_space<semaphore_mem>>) src(%arg17 : memref<40x128xf32, #tpu.memory_space<vmem>>) dst(%dma_wait3A_80 : memref<10000x128xf32, #tpu.memory_space<vmem_shared>>)
    %dma_wait3A_81 = arith.constant 0 : i32
    %dma_wait3A_82 = arith.constant 0 : i32
    %dma_wait3A_83 = tpu.memref_slice %arg23[%dma_wait3A_81, %dma_wait3A_82] : memref<10000x128xf32, #tpu.memory_space<vmem_shared>> -> memref<10000x128xf32, #tpu.memory_space<vmem_shared>>
    tpu.wait_indirect_dma semaphore(%arg31 : memref<!tpu.dma_semaphore, #tpu.memory_space<semaphore_mem>>) src(%arg18 : memref<40x128xf32, #tpu.memory_space<vmem>>) dst(%dma_wait3A_83 : memref<10000x128xf32, #tpu.memory_space<vmem_shared>>)
    %dma_wait3A_84 = arith.constant 0 : i32
    %dma_wait3A_85 = arith.constant 0 : i32
    %dma_wait3A_86 = tpu.memref_slice %arg23[%dma_wait3A_84, %dma_wait3A_85] : memref<10000x128xf32, #tpu.memory_space<vmem_shared>> -> memref<10000x128xf32, #tpu.memory_space<vmem_shared>>
    tpu.wait_indirect_dma semaphore(%arg32 : memref<!tpu.dma_semaphore, #tpu.memory_space<semaphore_mem>>) src(%arg19 : memref<40x128xf32, #tpu.memory_space<vmem>>) dst(%dma_wait3A_86 : memref<10000x128xf32, #tpu.memory_space<vmem_shared>>)
    %barrier3A_87 = arith.constant 0 : index
    tpu.barrier barrier_id(%barrier3A_87)
    %while3A_88 = arith.constant 0 : i32
    %while3A_89 = arith.constant 0 : i32
    %while3A_90 = arith.subi %add3A_7, %while3A_89 : i32
    %while3A_91 = arith.addi %while3A_89, %while3A_90 : i32
    %while3A_92 = arith.constant 1 : i32
    %while3A_93 = arith.divsi %while3A_90, %while3A_92 : i32
    %while3A_94 = arith.muli %while3A_93, %while3A_92 : i32
    %while3A_95 = arith.addi %while3A_89, %while3A_94 : i32
    %while3A_96 = arith.constant 1 : i32
    scf.for %while3A_98 = %while3A_89 to %while3A_95 step %while3A_96  : i32 {
      %mul3A_99 = arith.constant 16 : i32
      %mul3A_100 = arith.muli %while3A_98, %mul3A_99 : i32
      %add3A_101 = arith.addi %mul3A_100, %arg1 : i32
      %mul3A_102 = arith.constant 40 : i32
      %mul3A_103 = arith.muli %add3A_101, %mul3A_102 : i32
      "tpu.region"() ({
        %run_scoped3A = tpu.sem_alloc : memref<!tpu.dma_semaphore, #tpu.memory_space<semaphore_mem>>
        %dma_start3A_104 = arith.constant 0 : i32
        %dma_start3A_105 = tpu.memref_slice %arg7[%arg0, %mul3A_103, %dma_start3A_104] : memref<2x10000x128xf32, #tpu.memory_space<hbm>> -> memref<1x40x128xf32, #tpu.memory_space<hbm>>
        %dma_start3A_106 = tpu.memref_squeeze %dma_start3A_105 : memref<1x40x128xf32, #tpu.memory_space<hbm>> -> memref<40x128xf32, #tpu.memory_space<hbm>>
        %dma_start3A_107 = arith.constant 0 : i32
        %dma_start3A_108 = tpu.memref_slice %arg23[%mul3A_103, %dma_start3A_107] : memref<10000x128xf32, #tpu.memory_space<vmem_shared>> -> memref<40x128xf32, #tpu.memory_space<vmem_shared>>
        tpu.enqueue_dma source(%dma_start3A_108 : memref<40x128xf32, #tpu.memory_space<vmem_shared>>) target(%dma_start3A_106 : memref<40x128xf32, #tpu.memory_space<hbm>>) target_semaphore(%run_scoped3A : memref<!tpu.dma_semaphore, #tpu.memory_space<semaphore_mem>>)
        %dma_wait3A_109 = arith.constant 0 : i32
        %dma_wait3A_110 = tpu.memref_slice %arg7[%arg0, %mul3A_103, %dma_wait3A_109] : memref<2x10000x128xf32, #tpu.memory_space<hbm>> -> memref<1x40x128xf32, #tpu.memory_space<hbm>>
        %dma_wait3A_111 = tpu.memref_squeeze %dma_wait3A_110 : memref<1x40x128xf32, #tpu.memory_space<hbm>> -> memref<40x128xf32, #tpu.memory_space<hbm>>
        %dma_wait3A_112 = arith.constant 0 : i32
        %dma_wait3A_113 = tpu.memref_slice %arg23[%mul3A_103, %dma_wait3A_112] : memref<10000x128xf32, #tpu.memory_space<vmem_shared>> -> memref<40x128xf32, #tpu.memory_space<vmem_shared>>
        tpu.wait_dma2 semaphore(%run_scoped3A : memref<!tpu.dma_semaphore, #tpu.memory_space<semaphore_mem>>) src(%dma_wait3A_113 : memref<40x128xf32, #tpu.memory_space<vmem_shared>>) dst(%dma_wait3A_111 : memref<40x128xf32, #tpu.memory_space<hbm>>)
        tpu.yield
      }) : () -> ()
    }
    %while3A_97 = arith.constant 1 : i32
    scf.for %while3A_98 = %while3A_95 to %while3A_91 step %while3A_97  : i32 {
      %mul3A_99 = arith.constant 16 : i32
      %mul3A_100 = arith.muli %while3A_98, %mul3A_99 : i32
      %add3A_101 = arith.addi %mul3A_100, %arg1 : i32
      %mul3A_102 = arith.constant 40 : i32
      %mul3A_103 = arith.muli %add3A_101, %mul3A_102 : i32
      "tpu.region"() ({
        %run_scoped3A = tpu.sem_alloc : memref<!tpu.dma_semaphore, #tpu.memory_space<semaphore_mem>>
        %dma_start3A_104 = arith.constant 0 : i32
        %dma_start3A_105 = tpu.memref_slice %arg7[%arg0, %mul3A_103, %dma_start3A_104] : memref<2x10000x128xf32, #tpu.memory_space<hbm>> -> memref<1x40x128xf32, #tpu.memory_space<hbm>>
        %dma_start3A_106 = tpu.memref_squeeze %dma_start3A_105 : memref<1x40x128xf32, #tpu.memory_space<hbm>> -> memref<40x128xf32, #tpu.memory_space<hbm>>
        %dma_start3A_107 = arith.constant 0 : i32
        %dma_start3A_108 = tpu.memref_slice %arg23[%mul3A_103, %dma_start3A_107] : memref<10000x128xf32, #tpu.memory_space<vmem_shared>> -> memref<40x128xf32, #tpu.memory_space<vmem_shared>>
        tpu.enqueue_dma source(%dma_start3A_108 : memref<40x128xf32, #tpu.memory_space<vmem_shared>>) target(%dma_start3A_106 : memref<40x128xf32, #tpu.memory_space<hbm>>) target_semaphore(%run_scoped3A : memref<!tpu.dma_semaphore, #tpu.memory_space<semaphore_mem>>)
        %dma_wait3A_109 = arith.constant 0 : i32
        %dma_wait3A_110 = tpu.memref_slice %arg7[%arg0, %mul3A_103, %dma_wait3A_109] : memref<2x10000x128xf32, #tpu.memory_space<hbm>> -> memref<1x40x128xf32, #tpu.memory_space<hbm>>
        %dma_wait3A_111 = tpu.memref_squeeze %dma_wait3A_110 : memref<1x40x128xf32, #tpu.memory_space<hbm>> -> memref<40x128xf32, #tpu.memory_space<hbm>>
        %dma_wait3A_112 = arith.constant 0 : i32
        %dma_wait3A_113 = tpu.memref_slice %arg23[%mul3A_103, %dma_wait3A_112] : memref<10000x128xf32, #tpu.memory_space<vmem_shared>> -> memref<40x128xf32, #tpu.memory_space<vmem_shared>>
        tpu.wait_dma2 semaphore(%run_scoped3A : memref<!tpu.dma_semaphore, #tpu.memory_space<semaphore_mem>>) src(%dma_wait3A_113 : memref<40x128xf32, #tpu.memory_space<vmem_shared>>) dst(%dma_wait3A_111 : memref<40x128xf32, #tpu.memory_space<hbm>>)
        tpu.yield
      }) : () -> ()
    }
    return
  }
}

module attributes {stable_mosaic.version = 14 : i64} {
  func.func @_emb_kernel(%arg0: i32, %arg1: memref<7x6400xf32, #tpu.memory_space<vmem>>, %arg2: memref<7x128xf32, #tpu.memory_space<vmem>>, %arg3: memref<1x128xf32, #tpu.memory_space<vmem>>, %arg4: memref<1x6400xf32, #tpu.memory_space<vmem>>, %arg5: memref<6400x128xf32, #tpu.memory_space<vmem>>, %arg6: memref<6400x16xf32, #tpu.memory_space<vmem>>) attributes {dimension_semantics = [#tpu.dimension_semantics<arbitrary>], iteration_bounds = array<i64: 50>, scalar_prefetch = 0 : i64, scratch_operands = 0 : i64, tpu.core_type = #tpu.core_type<tc>, window_params = [{transform_indices = @transform_0, window_bounds = array<i64: 7, 6400>}, {pipeline_mode = #tpu.pipeline_mode<synchronous>, transform_indices = @transform_1, window_bounds = array<i64: 7, 128>}, {pipeline_mode = #tpu.pipeline_mode<synchronous>, transform_indices = @transform_2, window_bounds = array<i64: 1, 128>}, {transform_indices = @transform_3, window_bounds = array<i64: 1, 6400>}, {transform_indices = @transform_4, window_bounds = array<i64: 6400, 128>}, {transform_indices = @transform_5, window_bounds = array<i64: 6400, 16>}]} {
    %get3A = arith.constant 0 : index
    %get3A_0 = arith.constant 0 : index
    %get3A_1 = vector.load %arg1[%get3A, %get3A_0] : memref<7x6400xf32, #tpu.memory_space<vmem>>, vector<7x6400xf32>
    %get3A_2 = arith.constant 0 : index
    %get3A_3 = arith.constant 0 : index
    %get3A_4 = vector.load %arg2[%get3A_2, %get3A_3] : memref<7x128xf32, #tpu.memory_space<vmem>>, vector<7x128xf32>
    %dot_general3A = arith.constant dense<0.000000e+00> : vector<6400x128xf32>
    %dot_general3A_5 = tpu.matmul %get3A_1, %get3A_4, %dot_general3A {dimension_numbers = #tpu.dot_dimension_numbers<[0], [0], [1], [1], [0, 1, 1, 1], [], []>, transpose_lhs_hint = false} : vector<7x6400xf32>, vector<7x128xf32>, vector<6400x128xf32> -> vector<6400x128xf32>
    %get3A_6 = arith.constant 0 : index
    %get3A_7 = arith.constant 0 : index
    %get3A_8 = vector.load %arg3[%get3A_6, %get3A_7] : memref<1x128xf32, #tpu.memory_space<vmem>>, vector<1x128xf32>
    %add3A = vector.broadcast %get3A_8 : vector<1x128xf32> to vector<6400x128xf32>
    %add3A_9 = arith.addf %dot_general3A_5, %add3A : vector<6400x128xf32>
    %swap3A = arith.constant 0 : index
    %swap3A_10 = arith.constant 0 : index
    %swap3A_11 = vector.load %arg5[%swap3A, %swap3A_10] : memref<6400x128xf32, #tpu.memory_space<vmem>>, vector<6400x128xf32>
    tpu.vector_store %arg5[%swap3A, %swap3A_10], %add3A_9 {strides = array<i32>} : memref<6400x128xf32, #tpu.memory_space<vmem>>, vector<6400x128xf32>,
    %get3A_12 = arith.constant 0 : index
    %get3A_13 = arith.constant 0 : index
    %get3A_14 = vector.load %arg4[%get3A_12, %get3A_13] : memref<1x6400xf32, #tpu.memory_space<vmem>>, vector<1x6400xf32>
    %transpose3A = tpu.transpose %get3A_14, [1, 0] : vector<1x6400xf32> -> vector<6400x1xf32>
    %broadcast_in_dim3A = vector.shape_cast %transpose3A : vector<6400x1xf32> to vector<6400x1xf32>
    %broadcast_in_dim3A_15 = vector.broadcast %broadcast_in_dim3A : vector<6400x1xf32> to vector<6400x16xf32>
    %swap3A_16 = arith.constant 0 : index
    %swap3A_17 = arith.constant 0 : index
    %swap3A_18 = vector.load %arg6[%swap3A_16, %swap3A_17] : memref<6400x16xf32, #tpu.memory_space<vmem>>, vector<6400x16xf32>
    tpu.vector_store %arg6[%swap3A_16, %swap3A_17], %broadcast_in_dim3A_15 {strides = array<i32>} : memref<6400x16xf32, #tpu.memory_space<vmem>>, vector<6400x16xf32>,
    return
  }
  func.func @transform_0(%arg0: i32) -> (i32, i32) {
    %c0_i32 = arith.constant 0 : i32
    %c0_i32_0 = arith.constant 0 : i32
    return %c0_i32, %arg0 : i32, i32
  }
  func.func @transform_1(%arg0: i32) -> (i32, i32) {
    %c0_i32 = arith.constant 0 : i32
    %c0_i32_0 = arith.constant 0 : i32
    %c0_i32_1 = arith.constant 0 : i32
    return %c0_i32, %c0_i32_0 : i32, i32
  }
  func.func @transform_2(%arg0: i32) -> (i32, i32) {
    %c0_i32 = arith.constant 0 : i32
    %c0_i32_0 = arith.constant 0 : i32
    %c0_i32_1 = arith.constant 0 : i32
    return %c0_i32, %c0_i32_0 : i32, i32
  }
  func.func @transform_3(%arg0: i32) -> (i32, i32) {
    %c0_i32 = arith.constant 0 : i32
    %c0_i32_0 = arith.constant 0 : i32
    return %c0_i32, %arg0 : i32, i32
  }
  func.func @transform_4(%arg0: i32) -> (i32, i32) {
    %c0_i32 = arith.constant 0 : i32
    %c0_i32_0 = arith.constant 0 : i32
    return %arg0, %c0_i32 : i32, i32
  }
  func.func @transform_5(%arg0: i32) -> (i32, i32) {
    %c0_i32 = arith.constant 0 : i32
    %c0_i32_0 = arith.constant 0 : i32
    return %arg0, %c0_i32 : i32, i32
  }
}

module attributes {stable_mosaic.version = 14 : i64} {
  func.func @_matmul_bias_kernel(%arg0: i32, %arg1: memref<1000x128xf32, #tpu.memory_space<vmem>>, %arg2: memref<128x128xf32, #tpu.memory_space<vmem>>, %arg3: memref<1x128xf32, #tpu.memory_space<vmem>>, %arg4: memref<1000x128xf32, #tpu.memory_space<vmem>>) attributes {dimension_semantics = [#tpu.dimension_semantics<arbitrary>], iteration_bounds = array<i64: 10>, scalar_prefetch = 0 : i64, scratch_operands = 0 : i64, tpu.core_type = #tpu.core_type<tc>, window_params = [{transform_indices = @transform_0, window_bounds = array<i64: 1000, 128>}, {pipeline_mode = #tpu.pipeline_mode<synchronous>, transform_indices = @transform_1, window_bounds = array<i64: 128, 128>}, {pipeline_mode = #tpu.pipeline_mode<synchronous>, transform_indices = @transform_2, window_bounds = array<i64: 1, 128>}, {transform_indices = @transform_3, window_bounds = array<i64: 1000, 128>}]} {
    %get3A = arith.constant 0 : index
    %get3A_0 = arith.constant 0 : index
    %get3A_1 = vector.load %arg1[%get3A, %get3A_0] : memref<1000x128xf32, #tpu.memory_space<vmem>>, vector<1000x128xf32>
    %get3A_2 = arith.constant 0 : index
    %get3A_3 = arith.constant 0 : index
    %get3A_4 = vector.load %arg2[%get3A_2, %get3A_3] : memref<128x128xf32, #tpu.memory_space<vmem>>, vector<128x128xf32>
    %dot_general3A = arith.constant dense<0.000000e+00> : vector<1000x128xf32>
    %dot_general3A_5 = tpu.matmul %get3A_1, %get3A_4, %dot_general3A {dimension_numbers = #tpu.dot_dimension_numbers<[1], [0], [0], [1], [0, 0, 1, 1], [], []>, transpose_lhs_hint = false} : vector<1000x128xf32>, vector<128x128xf32>, vector<1000x128xf32> -> vector<1000x128xf32>
    %get3A_6 = arith.constant 0 : index
    %get3A_7 = arith.constant 0 : index
    %get3A_8 = vector.load %arg3[%get3A_6, %get3A_7] : memref<1x128xf32, #tpu.memory_space<vmem>>, vector<1x128xf32>
    %add3A = vector.broadcast %get3A_8 : vector<1x128xf32> to vector<1000x128xf32>
    %add3A_9 = arith.addf %dot_general3A_5, %add3A : vector<1000x128xf32>
    %swap3A = arith.constant 0 : index
    %swap3A_10 = arith.constant 0 : index
    %swap3A_11 = vector.load %arg4[%swap3A, %swap3A_10] : memref<1000x128xf32, #tpu.memory_space<vmem>>, vector<1000x128xf32>
    tpu.vector_store %arg4[%swap3A, %swap3A_10], %add3A_9 {strides = array<i32>} : memref<1000x128xf32, #tpu.memory_space<vmem>>, vector<1000x128xf32>,
    return
  }
  func.func @transform_0(%arg0: i32) -> (i32, i32) {
    %c0_i32 = arith.constant 0 : i32
    %c0_i32_0 = arith.constant 0 : i32
    return %arg0, %c0_i32 : i32, i32
  }
  func.func @transform_1(%arg0: i32) -> (i32, i32) {
    %c0_i32 = arith.constant 0 : i32
    %c0_i32_0 = arith.constant 0 : i32
    %c0_i32_1 = arith.constant 0 : i32
    return %c0_i32, %c0_i32_0 : i32, i32
  }
  func.func @transform_2(%arg0: i32) -> (i32, i32) {
    %c0_i32 = arith.constant 0 : i32
    %c0_i32_0 = arith.constant 0 : i32
    %c0_i32_1 = arith.constant 0 : i32
    return %c0_i32, %c0_i32_0 : i32, i32
  }
  func.func @transform_3(%arg0: i32) -> (i32, i32) {
    %c0_i32 = arith.constant 0 : i32
    %c0_i32_0 = arith.constant 0 : i32
    return %arg0, %c0_i32 : i32, i32
  }
}

module attributes {stable_mosaic.version = 14 : i64} {
  func.func @_combine_kernel(%arg0: i32, %arg1: memref<1x1000x128xf32, #tpu.memory_space<vmem>>, %arg2: memref<1x1000x128xf32, #tpu.memory_space<vmem>>, %arg3: memref<1000x128xf32, #tpu.memory_space<vmem>>, %arg4: memref<1000x1xf32, #tpu.memory_space<vmem>>, %arg5: memref<1x128xf32, #tpu.memory_space<vmem>>, %arg6: memref<1000x128xf32, #tpu.memory_space<vmem>>) attributes {dimension_semantics = [#tpu.dimension_semantics<arbitrary>], iteration_bounds = array<i64: 10>, scalar_prefetch = 0 : i64, scratch_operands = 0 : i64, tpu.core_type = #tpu.core_type<tc>, window_params = [{transform_indices = @transform_0, window_bounds = array<i64: 1, 1000, 128>}, {transform_indices = @transform_1, window_bounds = array<i64: 1, 1000, 128>}, {transform_indices = @transform_2, window_bounds = array<i64: 1000, 128>}, {transform_indices = @transform_3, window_bounds = array<i64: 1000, 1>}, {pipeline_mode = #tpu.pipeline_mode<synchronous>, transform_indices = @transform_4, window_bounds = array<i64: 1, 128>}, {transform_indices = @transform_5, window_bounds = array<i64: 1000, 128>}]} {
    %get3A = arith.constant 0 : index
    %get3A_0 = arith.constant 0 : index
    %get3A_1 = vector.load %arg3[%get3A, %get3A_0] : memref<1000x128xf32, #tpu.memory_space<vmem>>, vector<1000x128xf32>
    %get3A_2 = arith.constant 0 : index
    %get3A_3 = arith.constant 0 : index
    %get3A_4 = vector.load %arg5[%get3A_2, %get3A_3] : memref<1x128xf32, #tpu.memory_space<vmem>>, vector<1x128xf32>
    %add3A = vector.broadcast %get3A_4 : vector<1x128xf32> to vector<1000x128xf32>
    %add3A_5 = arith.addf %get3A_1, %add3A : vector<1000x128xf32>
    %max3A = arith.constant 0.000000e+00 : f32
    %max3A_6 = vector.broadcast %max3A : f32 to vector<1000x128xf32>
    %max3A_7 = arith.maximumf %add3A_5, %max3A_6 : vector<1000x128xf32>
    %get3A_8 = arith.constant 0 : index
    %get3A_9 = arith.constant 0 : index
    %get3A_10 = vector.load %arg4[%get3A_8, %get3A_9] : memref<1000x1xf32, #tpu.memory_space<vmem>>, vector<1000x1xf32>
    %div3A = vector.broadcast %get3A_10 : vector<1000x1xf32> to vector<1000x128xf32>
    %div3A_11 = arith.divf %max3A_7, %div3A : vector<1000x128xf32>
    %get3A_12 = arith.constant 0 : index
    %get3A_13 = arith.constant 0 : index
    %get3A_14 = arith.constant 0 : index
    %get3A_15 = vector.load %arg1[%get3A_12, %get3A_13, %get3A_14] : memref<1x1000x128xf32, #tpu.memory_space<vmem>>, vector<1x1000x128xf32>
    %get3A_16 = vector.shape_cast %get3A_15 : vector<1x1000x128xf32> to vector<1000x128xf32>
    %get3A_17 = arith.constant 0 : index
    %get3A_18 = arith.constant 0 : index
    %get3A_19 = arith.constant 0 : index
    %get3A_20 = vector.load %arg2[%get3A_17, %get3A_18, %get3A_19] : memref<1x1000x128xf32, #tpu.memory_space<vmem>>, vector<1x1000x128xf32>
    %get3A_21 = vector.shape_cast %get3A_20 : vector<1x1000x128xf32> to vector<1000x128xf32>
    %add3A_22 = arith.addf %get3A_16, %get3A_21 : vector<1000x128xf32>
    %add3A_23 = arith.addf %add3A_22, %div3A_11 : vector<1000x128xf32>
    %swap3A = arith.constant 0 : index
    %swap3A_24 = arith.constant 0 : index
    %swap3A_25 = vector.load %arg6[%swap3A, %swap3A_24] : memref<1000x128xf32, #tpu.memory_space<vmem>>, vector<1000x128xf32>
    tpu.vector_store %arg6[%swap3A, %swap3A_24], %add3A_23 {strides = array<i32>} : memref<1000x128xf32, #tpu.memory_space<vmem>>, vector<1000x128xf32>,
    return
  }
  func.func @transform_0(%arg0: i32) -> (i32, i32, i32) {
    %c0_i32 = arith.constant 0 : i32
    %c0_i32_0 = arith.constant 0 : i32
    %c0_i32_1 = arith.constant 0 : i32
    return %c0_i32, %arg0, %c0_i32_0 : i32, i32, i32
  }
  func.func @transform_1(%arg0: i32) -> (i32, i32, i32) {
    %c1_i32 = arith.constant 1 : i32
    %c0_i32 = arith.constant 0 : i32
    %c0_i32_0 = arith.constant 0 : i32
    return %c1_i32, %arg0, %c0_i32 : i32, i32, i32
  }
  func.func @transform_2(%arg0: i32) -> (i32, i32) {
    %c0_i32 = arith.constant 0 : i32
    %c0_i32_0 = arith.constant 0 : i32
    return %arg0, %c0_i32 : i32, i32
  }
  func.func @transform_3(%arg0: i32) -> (i32, i32) {
    %c0_i32 = arith.constant 0 : i32
    %c0_i32_0 = arith.constant 0 : i32
    return %arg0, %c0_i32 : i32, i32
  }
  func.func @transform_4(%arg0: i32) -> (i32, i32) {
    %c0_i32 = arith.constant 0 : i32
    %c0_i32_0 = arith.constant 0 : i32
    %c0_i32_1 = arith.constant 0 : i32
    return %c0_i32, %c0_i32_0 : i32, i32
  }
  func.func @transform_5(%arg0: i32) -> (i32, i32) {
    %c0_i32 = arith.constant 0 : i32
    %c0_i32_0 = arith.constant 0 : i32
    return %arg0, %c0_i32 : i32, i32
  }
}

</mosaic_0001>

<sc_bundles>
// kernel: kernel.6.cloned.1.call-start
scs
__scs_entry_jumppad:
0x0: {  	(pc) =	sbr.rel $0x88, $3  }
0x1: {  	(tag) =	ssettag $0x0;
	lr =	simm.s32 $0x1  }
0x2: {  	[smem:$0x3F97] =	sst lr;
	_ =	strace $0xD0000000  }
0x3: {  	_ = 	snop  }
0x4: {  	_ = 	snop  }
0x5: {  	_ = 	snop  }
0x6: {  	_ = 	snop  }
0x7: {  	_ = 	snop  }
__scs_overlays_trampoline_lowered:
0x8: {  	[smem:$0x3FA6] =	sst s0  }
0x9: {  	[smem:$0x3FA7] =	sst s1  }
0xa: {  	[smem:$0x3FA8] =	sst s2  }
0xb: {  	[smem:$0x3FA9] =	sst s3  }
0xc: {  	[smem:$0x3FAA] =	sst s4  }
0xd: {  	[smem:$0x3FAB] =	sst s5  }
0xe: {  	[smem:$0x3FAC] =	sst s6  }
0xf: {  	[smem:$0x3FAD] =	sst s7  }
0x10: {  	[smem:$0x3FAE] =	sst s8  }
0x11: {  	[smem:$0x3FAF] =	sst s9;
	s0 =	simm.s32 @!p0 $0x0  }
0x12: {  	s1 =	sld [smem:$0x3F95];
	s0 =	simm.s32 @p0 $0x1  }
0x13: {  	[smem:$0x3FB0] =	sst s0;
	s0 =	simm.s32 @!p1 $0x0  }
0x14: {  	s2 =	sld [smem:$0x3F94];
	s0 =	simm.s32 @p1 $0x1  }
0x15: {  	[smem:$0x3FB1] =	sst s0;
	s0 =	simm.s32 @!p2 $0x0  }
0x16: {  	s3 =	sld [smem:$0x3FDB];
	s0 =	simm.s32 @p2 $0x1  }
0x17: {  	s4 =	simm.s32 $0x1BF5;
	[smem:$0x3FB3] =	sst s0  }
0x18: {  	s0 =	sld [smem:$0x3F96];
	_ =	swait.ge [sflag:s4], $0x0  }
0x19: {  	s7 =	sld [smem:$0x3F97]  }
0x1a: {  	s8 =	sadd.s32 $0xFFFFE003, lr  }
0x1b: {  	s9 =	sadd.s32 $0xFFFFFEF7, lr;
	s5 =	simm.s32 $0xFFFFFFFF;
	p2 =	slt.u32 s8, $0xFFFFF086  }
0x1c: {  	p1 =	slt.u32 s9, $0xF7A;
	s5 =	simm.s32 @!p2 $0x0  }
0x1d: {  	s5 =	simm.s32 @p1 $0x1;
	p0 =	seq.s32 s7, s2  }
0x1e: {  	s7 =	smul.u32 @!p0 $0xF7A, s2;
	p2 =	seq.s32 @!p0 s5, $0x0  }
0x1f: {  	s9 =	smul.u32 $0xF7A, s1;
	s8 =	simm.s32 @!p0 $0x1BF5;
	p2 =	por !p2, p0  }
0x20: {  	[sflag:s8] =	ssyncset.s32 @!p0 $0xFFFFF086;
	s6 =	sadd.s32 @!p0 s3, s7;
	s7 =	simm.s32 @!p0 $0x108  }
0x21: {  	s3 =	sadd.s32 s3, s9;
	s6 =	sadd.s32 @!p0 $0x88, s6;
	s7 =	simm.s32 @p2 $0x1082  }
0x22: {  	[simem:s7], [sflag:s8] =	dma.local @!p0 [hbm:s6], $0xF7A  }
0x23: {  	s9 =	sor.u32 $0xD0000000, s2;
	s6 =	simm.s32 $0x108;
	_ =	swait.ge @!p0 [sflag:s8], $0x0  }
0x24: {  	s3 =	sadd.s32 $0x88, s3;
	s6 =	simm.s32 @!p1 $0x1082;
	[sflag:s4] =	ssyncset.s32 $0xFFFFF086  }
0x25: {  	[simem:s6], [sflag:s4] =	dma.local [hbm:s3], $0xF7A  }
0x26: {  	[smem:$0x3F97] =	sst s1;
	(tag) =	ssettag s2;
	_ =	strace s9  }
0x27: {  	s1 =	sld [smem:$0x3FA7]  }
0x28: {  	s2 =	sld [smem:$0x3FA8]  }
0x29: {  	s4 =	sld [smem:$0x3FAA]  }
0x2a: {  	p0 =	seq.s32 s5, $0x0;
	s5 =	sld [smem:$0x3FAB]  }
0x2b: {  	s6 =	sld [smem:$0x3FAC]  }
0x2c: {  	s7 =	sld [smem:$0x3FAD]  }
0x2d: {  	s3 =	simm.s32 $0x108;
	s8 =	sld [smem:$0x3FAE]  }
0x2e: {  	s3 =	simm.s32 @!p0 $0x1082;
	s9 =	sld [smem:$0x3FAF]  }
0x2f: {  	lr =	sadd.s32 s0, s3;
	s0 =	sld [smem:$0x3FA6]  }
0x30: {  	s3 =	sld [smem:$0x3FA9]  }
0x31: {  	[smem:$0x3FB2] =	sst s10  }
0x32: {  	s10 =	sld [smem:$0x3FB0];
	_ =	sdelay $0x3  }
0x33: {  	p0 =	seq.s32 s10, $0x1;
	s10 =	sld [smem:$0x3FB2];
	_ =	sdelay $0x3  }
0x34: {  	[smem:$0x3FB2] =	sst s10  }
0x35: {  	s10 =	sld [smem:$0x3FB1];
	_ =	sdelay $0x3  }
0x36: {  	p1 =	seq.s32 s10, $0x1;
	s10 =	sld [smem:$0x3FB2];
	_ =	sdelay $0x3  }
0x37: {  	[smem:$0x3FB2] =	sst s10  }
0x38: {  	s10 =	sld [smem:$0x3FB3]  }
0x39: {  	_ = 	snop;
	(pc) =	sbr.ind lr, $3  }
0x3a: {  	_ = 	snop  }
0x3b: {  	_ = 	snop  }
0x3c: {  	p2 =	seq.s32 s10, $0x1;
	s10 =	sld [smem:$0x3FB2]  }
0x3d: {  	_ =	shalt  }
0x3e: {  	_ =	shalt  }
0x3f: {  	_ =	shalt  }
0x40: {  	_ =	shalt  }
0x41: {  	_ =	shalt  }
0x42: {  	_ =	shalt  }
0x43: {  	_ =	shalt  }
0x44: {  	_ =	shalt  }
0x45: {  	_ =	shalt  }
0x46: {  	_ =	shalt  }
0x47: {  	_ =	shalt  }
0x48: {  	_ =	shalt  }
0x49: {  	_ =	shalt  }
0x4a: {  	_ =	shalt  }
0x4b: {  	_ =	shalt  }
0x4c: {  	_ =	shalt  }
0x4d: {  	_ =	shalt  }
0x4e: {  	_ =	shalt  }
0x4f: {  	_ =	shalt  }
0x50: {  	_ =	shalt  }
0x51: {  	_ =	shalt  }
0x52: {  	_ =	shalt  }
0x53: {  	_ =	shalt  }
0x54: {  	_ =	shalt  }
0x55: {  	_ =	shalt  }
0x56: {  	_ =	shalt  }
0x57: {  	_ =	shalt  }
0x58: {  	_ =	shalt  }
0x59: {  	_ =	shalt  }
0x5a: {  	_ =	shalt  }
0x5b: {  	_ =	shalt  }
0x5c: {  	_ =	shalt  }
0x5d: {  	_ =	shalt  }
0x5e: {  	_ =	shalt  }
0x5f: {  	_ =	shalt  }
0x60: {  	_ =	shalt  }
0x61: {  	_ =	shalt  }
0x62: {  	_ =	shalt  }
0x63: {  	_ =	shalt  }
0x64: {  	_ =	shalt  }
0x65: {  	_ =	shalt  }
0x66: {  	_ =	shalt  }
0x67: {  	_ =	shalt  }
0x68: {  	_ =	shalt  }
0x69: {  	_ =	shalt  }
0x6a: {  	_ =	shalt  }
0x6b: {  	_ =	shalt  }
0x6c: {  	_ =	shalt  }
0x6d: {  	_ =	shalt  }
0x6e: {  	_ =	shalt  }
0x6f: {  	_ =	shalt  }
0x70: {  	_ =	shalt  }
0x71: {  	_ =	shalt  }
0x72: {  	_ =	shalt  }
0x73: {  	_ =	shalt  }
0x74: {  	_ =	shalt  }
0x75: {  	_ =	shalt  }
0x76: {  	_ =	shalt  }
0x77: {  	_ =	shalt  }
0x78: {  	_ =	shalt  }
0x79: {  	_ =	shalt  }
0x7a: {  	_ =	shalt  }
0x7b: {  	_ =	shalt  }
0x7c: {  	_ =	shalt  }
0x7d: {  	_ =	shalt  }
0x7e: {  	_ =	shalt  }
0x7f: {  	_ =	shalt  }
0x80: {  	_ =	shalt  }
0x81: {  	_ =	shalt  }
0x82: {  	_ =	shalt  }
0x83: {  	_ =	shalt  }
0x84: {  	_ =	shalt  }
0x85: {  	_ =	shalt  }
0x86: {  	_ =	shalt  }
0x87: {  	_ =	shalt  }
.Lfunc_end0:
.L_simem_size_0:
called_computation_lowered:
.L_overlay_start_0:
0x88: {  	s2 =	sld [smem:$0x3FD9]  }
0x89: {  	s3 =	sld [smem:$0x3FFE];
	_ =	sdelay $0x1  }
0x8a: {  	s1 =	srdreg.scid  }
0x8b: {  	s0 =	sand.u32 $0x1, s1  }
0x8c: {  	s17 =	sshll.u32 s0, $0xA;
	s2 =	sadd.s32 s3, s2  }
0x8d: {  	s2 =	sadd.s32 s2, s17  }
0x8e: {  	[smem:$0x3FBE] =	sst s2  }
0x8f: {  	_ = 	snop  }
0x90: {  	s2 =	sld [smem:$0x3FD0];
	(tm) =	ssettm $0x1  }
0x91: {  	s18 =	sld [smem:$0x3FFB];
	_ =	sdelay $0x3  }
0x92: {  	_ =	strace s18  }
0x93: {  	s3 =	sld [smem:$0x3FFC];
	_ =	sdelay $0x3  }
0x94: {  	_ =	strace s3  }
0x95: {  	s3 =	sld [smem:$0x3FFD];
	_ =	sdelay $0x3  }
0x96: {  	_ =	strace s3  }
0x97: {  	_ =	strace $0x8FFFFFFF  }
0x98: {  	s19 =	sld [smem:$0x3FDB];
	_ =	sdelay $0x1  }
0x99: {  	s4 =	simm.s32 $_scs_section_size  }
0x9a: {  	s5 =	simm.s32 $_size__tile_overlayer_lowered;
	s6 =	simm.s32 $_tile_overlayer_lowered  }
0x9b: {  	s22 =	simm.s32 $0x1BFF;
	s21 =	sshll.u32 s6, $0x1;
	s3 =	sadd.s32 s4, s19  }
0x9c: {  	s7 =	simm.s32 $0x0;
	s20 =	sshll.u32 s5, $0x1;
	s5 =	sadd.s32 s21, s3  }
0x9d: {  	[timem:s7], [sflag:s22] =	dma.local [hbm:s5], s20  }
0x9e: {  	_ =	swait.ge [sflag:s22], s20  }
0x9f: {  	s4 =	ssub.s32 $0x0, s20;
	[sflag:s22] =	ssyncset.done $0x0  }
0xa0: {  	[sflag:s22] =	ssyncadd.s32 s4;
	_ =	sdelay $0x1  }
0xa1: {  	s23 =	simm.s32 $0x1B8B  }
0xa2: {  	_ =	swait.ge [sflag:s23], $0x1  }
0xa3: {  	[sflag:s23] =	ssyncset.done $0x0  }
0xa4: {  	s25 =	simm.s32 $0x1B8E;
	s24 =	sld [smem:$0x3FFE];
	[sflag:s23] =	ssyncadd.s32 $0xFFFFFFFF  }
0xa5: {  	s26 =	simm.s32 $execute0_lowered;
	[smem:$0x3FD2] =	sst s25  }
0xa6: {  	s5 =	sshll.u32 s26, $0x1;
	_ =	strace $0x80000046;
	[dreg:$0x1] =	wrdreg $0xFFFFFFFF  }
0xa7: {  	s28 =	simm.s32 $_size_execute0_lowered;
	s3 =	sadd.s32 s3, s5;
	[dreg:$0x0] =	wrdreg $0x0  }
0xa8: {  	s5 =	sshll.u32 s28, $0x1;
	[dreg:$0x2] =	wrdreg s3  }
0xa9: {  	[dreg:$0x3] =	wrdreg s5  }
0xaa: {  	[dreg:$0x4] =	wrdreg $0xC0  }
0xab: {  	_ =	task [dreg:s7], $0x5FFFF  }
0xac: {  	[dreg:$0x1] =	wrdreg $0xFFFFFFFF  }
0xad: {  	[dreg:$0x0] =	wrdreg $0x60  }
0xae: {  	[dreg:$0x2] =	wrdreg s2  }
0xaf: {  	[dreg:$0x3] =	wrdreg s24  }
0xb0: {  	[dreg:$0x4] =	wrdreg $0xB7000  }
0xb1: {  	[dreg:$0x5] =	wrdreg $0x9  }
0xb2: {  	_ =	task.clear_ibuf [dreg:s7], $0x6FFFF;
	_ =	strace $0x90000046  }
0xb3: {  	s29 =	simm.s32 $0x9;
	_ =	strace $0x80000048  }
0xb4: {  	_ =	swait.ge [sflag:s29], $0x1  }
0xb5: {  	[sflag:s29] =	ssyncadd.s32 $0xFFFFFFFF  }
0xb6: {  	_ =	strace $0x90000048  }
0xb7: {  	_ =	sfence  }
0xb8: {  	s30 =	sld [smem:$0x0];
	_ =	sdelay $0x2  }
0xb9: {  	s31 =	sshll.u32 s1, $0xD;
	s1 =	sshrl.u32 s1, $0x2  }
0xba: {  	s3 =	sand.u32 $0x4000, s31;
	s1 =	sadd.s32 s1, s30  }
0xbb: {  	s0 =	sor.u32 s3, s0;
	s1 =	sshll.u32 s1, $0x11  }
0xbc: {  	s0 =	sor.u32 s1, s0  }
0xbd: {  	s0 =	sadd.s32 $0x8F2B, s0  }
0xbe: {  	[sflag:s0] =	ssyncadd.remote.s32 $0x1  }
0xbf: {  	_ =	sfence.sel $0xFFFF  }
0xc0: {  	[dreg:$0x0] =	wrdreg $0xFFFFFFFF;
	(pc) =	sbr.abs _section_cstart, $3  }
0xc1: {  	[dreg:$0x1] =	wrdreg $0xFFFFFFFF  }
0xc2: {  	_ =	task.clear_ibuf [dreg:s7], $0x2FFFF;
	_ =	strace $0x9FFFFFFF  }
0xc3: {  	(tm) =	ssettm $0x7FFFFFFF  }
tec
execute0_lowered:
.L_overlay_start_1:
0x0: {  	(tag) =	ssettag $0x1  }
0x1: {  	s1 =	rddreg [dreg:$0x0]  }
0x2: {  	s0 =	rddreg [dreg:$0x1]  }
0x3: {  	s2 =	rddreg [dreg:$0x2]  }
0x4: {  	s3 =	simm.s32 $0x0;
	s4 =	srdreg.scid;
	s14 =	stileid.u32  }
0x5: {  	s15 =	simm.s32 $0x10;
	s28 =	simm.s32 $0x180;
	[smem:$0x7FF] =	sst s3  }
0x6: {  	s5 =	sadd.s32 $0x15200, s0;
	s4 =	sand.u32 $0x1, s4;
	s6 =	sadd.s32 $0x4F7200, s0  }
0x7: {  	s7 =	sadd.s32 $0xB400, s0;
	s9 =	sadd.s32 $0x9D9200, s0;
	s24 =	smul.u32 $0x5000, s14  }
0x8: {  	p0 =	slt.u32 s14, $0xA;
	s29 =	smul.u32 $0x1400, s14;
	_ =	strace $0x80000047  }
0x9: {  	s8 =	sshll.u32 s4, $0x4;
	s10 =	ssub.s32 $0x2, s4;
	s15 =	simm.s32 @!p0 $0xF  }
0xa: {  	s4 =	smul.u32 $0x138800, s4;
	s11 =	sor.u32 s14, s8;
	s8 =	sadd.s32 $0x1600, s0  }
0xb: {  	s12 =	sshrl.u32 s10, $0x1;
	[dreg:$0x4] =	wrdreg s15;
	s26 =	sshrl.u32 s24, $0x2  }
0xc: {  	s24 =	simm.s32 $0x5300;
	s14 =	simm.s32 $0x6700;
	s15 =	simm.s32 $0x6  }
0xd: {  	s13 =	smul.u32 $0x5, s11;
	s31 =	ssub.s32 s10, s12;
	s25 =	sor.u32 $0x40, s11  }
0xe: {  	s16 =	smul.u32 $0x28, s11;
	s30 =	sadd.s32 s26, s2;
	[dreg:$0xd] =	wrdreg s25  }
0xf: {  	s17 =	smul.u32 $0x280, s11;
	s0 =	smax.u32 s31, $0x1;
	[dreg:$0xf] =	wrdreg s30  }
0x10: {  	s26 =	simm.s32 $0xA;
	s31 =	sadd.s32 s29, s4;
	[dreg:$0xe] =	wrdreg s0  }
0x11: {  	s25 =	simm.s32 $0x3F00;
	s18 =	sadd.s32 s7, s13;
	[dreg:$0x10] =	wrdreg s31  }
0x12: {  	s4 =	simm.s32 $0x1;
	s13 =	sadd.s32 s8, s13;
	[dreg:$0x5] =	wrdreg s18  }
0x13: {  	s10 =	sadd.s32 $0x500, s16;
	s19 =	sadd.s32 s6, s17;
	[dreg:$0x6] =	wrdreg s13  }
0x14: {  	s12 =	sadd.s32 s5, s17;
	s16 =	simm.s32 $0x4;
	[dreg:$0x7] =	wrdreg s19  }
0x15: {  	s17 =	simm.s32 $0x7;
	s20 =	sshrl.u32 s10, $0x3;
	[dreg:$0x8] =	wrdreg s12  }
0x16: {  	s10 =	sshll.u32 s10, $0x4;
	s12 =	simm.s32 $0x100;
	s21 =	sadd.s32 s7, s20  }
0x17: {  	s13 =	simm.s32 $0x280;
	s22 =	sadd.s32 s8, s20;
	[dreg:$0x9] =	wrdreg s21  }
0x18: {  	s18 =	simm.s32 $0x2;
	s23 =	sadd.s32 s6, s10;
	[dreg:$0xa] =	wrdreg s22  }
0x19: {  	s19 =	simm.s32 $0x0;
	s10 =	sadd.s32 s5, s10;
	[dreg:$0xb] =	wrdreg s23  }
0x1a: {  	s20 =	sor.u32 $0x60, s11;
	[dreg:$0xc] =	wrdreg s10;
	s21 =	sor.u32 $0x80, s11  }
0x1b: {  	v0 =	vimm.f32 $0.0e+00;
	s11 =	simm.s32 $0x28;
	s10 =	simm.s32 $0x5;
	s23 =	simm.s32 $0x3  }
.LBB2_1:
0x1c: {  	s0 =	simm.s32 $0x0;
	s29 =	simm.s32 $0x200  }
.LBB2_2:
0x1d: {  	p0 =	sne.s32 s29, $0x4E00;
	[tilespmem:s0+$0x3F70] =	vst v0  }
0x1e: {  	[tilespmem:s0+$0x3F00] =	vst v0  }
0x1f: {  	[tilespmem:s0+$0x3F10] =	vst v0  }
.Ltmp0:
0x20: {  	[tilespmem:s0+$0x3F20] =	vst v0;
	(pc) =	sbr.rel @p0 .LBB2_2-.Ltmp0, $4  }
0x21: {  	[tilespmem:s0+$0x3F30] =	vst v0  }
0x22: {  	[tilespmem:s0+$0x3F40] =	vst v0  }
0x23: {  	[tilespmem:s0+$0x3F50] =	vst v0  }
0x24: {  	[tilespmem:s0+$0x3F60] =	vst v0;
	s0 =	sshra.s32 s29, $0x2;
	s29 =	sadd.s32 $0x200, s29  }
0x25: {  	[tilespmem:s0+$0x3F70] =	vst v0  }
0x26: {  	[tilespmem:s0+$0x3F00] =	vst v0  }
0x27: {  	[tilespmem:s0+$0x3F10] =	vst v0  }
0x28: {  	[tilespmem:s0+$0x3F20] =	vst v0  }
0x29: {  	[tilespmem:s0+$0x3F30] =	vst v0;
	s31 =	rddreg [dreg:$0x4]  }
0x2a: {  	[tilespmem:s0+$0x3F40] =	vst v0;
	p0 =	sne.s32 s31, $0x1  }
.Ltmp1:
0x2b: {  	[dreg:$0x11] =	wrdreg s19;
	[tilespmem:s0+$0x3F50] =	vst v0;
	(pc) =	sbr.rel @!p0 .LBB2_5-.Ltmp1, $4  }
0x2c: {  	[tilespmem:s0+$0x3F60] =	vst v0;
	s29 =	rddreg [dreg:$0xf]  }
0x2d: {  	[spmem:s29] =	stream.linear.scatter [tilespmem:s25], [sflag:$0xA], $0x1400, $0x38;
	[tilespmem:$0x1EF80] =	vst v63  }
0x2e: {  	_ =	swait.ge [sflag:s26], $0x1400  }
0x2f: {  	s0 =	sadd.s32 $0xFFFFFFFF, s31;
	[sflag:s26] =	ssyncset.done $0x0  }
.LBB2_4:
0x30: {  	p1 =	sne.s32 s0, $0x1;
	[sflag:s26] =	ssyncadd.s32 $0xFFFFEC00;
	s29 =	sadd.s32 $0x14000, s29  }
.Ltmp2:
0x31: {  	s0 =	sadd.s32 $0xFFFFFFFF, s0;
	(pc) =	sbr.rel @p1 .LBB2_4-.Ltmp2, $4  }
0x32: {  	_ = 	snop  }
0x33: {  	[spmem:s29] =	stream.linear.scatter [tilespmem:s25], [sflag:$0xA], $0x1400, $0x38;
	[tilespmem:$0x1EF80] =	vst v63  }
0x34: {  	_ =	swait.ge [sflag:s26], $0x1400  }
0x35: {  	[sflag:s26] =	ssyncset.done $0x0  }
.LBB2_5:
0x36: {  	[sflag:s26] =	ssyncadd.s32 $0xFFFFEC00  }
0x37: {  	[bflag:$0x0] =	sbarrier.arrive $0xFFFF  }
0x38: {  	s29 =	simm.s32 $0x0;
	s0 =	rddreg [dreg:$0x5]  }
0x39: {  	[tilespmem:s29], [sflag:$0x1] =	stream.linear.gather [hbm4b:s0+s29], $0x28, $0x38;
	[tilespmem:$0x1EF80] =	vst v63  }
0x3a: {  	s19 =	rddreg [dreg:$0x6]  }
0x3b: {  	[tilespmem:s28], [sflag:$0x1] =	stream.linear.gather [hbm4b:s19+s29], $0x28, $0x38;
	[tilespmem:$0x1EF80] =	vst v63  }
0x3c: {  	s22 =	rddreg [dreg:$0x7];
	s19 =	simm.s32 $0x300  }
0x3d: {  	[tilespmem:s19], [sflag:$0x1] =	stream.linear.gather [hbm4b:s22+s29], $0x1400, $0x38;
	[tilespmem:$0x1EF80] =	vst v63  }
0x3e: {  	s31 =	simm.s32 $0x7B00;
	s30 =	rddreg [dreg:$0x8]  }
0x3f: {  	[tilespmem:s31], [sflag:$0x1] =	stream.linear.gather [hbm4b:s30+s29], $0x1400, $0x38;
	[tilespmem:$0x1EF80] =	vst v63  }
0x40: {  	s19 =	rddreg [dreg:$0x9];
	s22 =	simm.s32 $0x80  }
0x41: {  	[tilespmem:s22], [sflag:$0x2] =	stream.linear.gather [hbm4b:s19+s29], $0x28, $0x38;
	[tilespmem:$0x1EF80] =	vst v63  }
0x42: {  	s30 =	rddreg [dreg:$0xa];
	s31 =	simm.s32 $0x200  }
0x43: {  	[tilespmem:s31], [sflag:$0x2] =	stream.linear.gather [hbm4b:s30+s29], $0x28, $0x38;
	[tilespmem:$0x1EF80] =	vst v63  }
0x44: {  	s19 =	rddreg [dreg:$0xb];
	s22 =	simm.s32 $0x1700  }
0x45: {  	[tilespmem:s22], [sflag:$0x2] =	stream.linear.gather [hbm4b:s19+s29], $0x1400, $0x38;
	[tilespmem:$0x1EF80] =	vst v63  }
0x46: {  	s30 =	rddreg [dreg:$0xc];
	s31 =	simm.s32 $0x8F00  }
0x47: {  	[tilespmem:s31], [sflag:$0x2] =	stream.linear.gather [hbm4b:s30+s29], $0x1400, $0x38;
	[tilespmem:$0x1EF80] =	vst v63  }
0x48: {  	_ =	swait.ge [sflag:s4], $0x28  }
0x49: {  	[sflag:s4] =	ssyncset.done $0x0  }
0x4a: {  	[sflag:s4] =	ssyncadd.s32 $0xFFFFFFD8  }
0x4b: {  	_ =	swait.ge [sflag:s4], $0x28  }
0x4c: {  	[sflag:s4] =	ssyncset.done $0x0  }
0x4d: {  	[sflag:s4] =	ssyncadd.s32 $0xFFFFFFD8  }
0x4e: {  	_ =	swait.ge [sflag:s4], $0x1400  }
0x4f: {  	[sflag:s4] =	ssyncset.done $0x0  }
0x50: {  	[sflag:s4] =	ssyncadd.s32 $0xFFFFEC00  }
0x51: {  	_ =	swait.ge [sflag:s4], $0x1400  }
0x52: {  	[sflag:s4] =	ssyncset.done $0x0  }
0x53: {  	[sflag:s4] =	ssyncadd.s32 $0xFFFFEC00  }
0x54: {  	[tilespmem:s25], [sflag:$0x4] =	stream.indirect.gather [hbm4b:s1+s11], $0x80, s29, s11, $0xb8;
	[tilespmem:$0x1EF80] =	vst v63  }
.LBB2_6:
0x55: {  	p1 =	seq.s32 s29, $0x0  }
.Ltmp3:
0x56: {  	_ = 	snop;
	(pc) =	sbr.rel @p1 .LBB2_9-.Ltmp3, $1  }
0x57: {  	_ =	sdelay $0x3  }
0x58: {  	p1 =	seq.s32 s29, $0x53  }
.Ltmp4:
0x59: {  	_ = 	snop;
	(pc) =	sbr.rel @p1 .LBB2_10-.Ltmp4, $1  }
0x5a: {  	_ =	sdelay $0x3  }
0x5b: {  	s0 =	simm.s32 $0x9  }
0x5c: {  	_ =	swait.ge [sflag:s0], $0x1400  }
0x5d: {  	[sflag:s0] =	ssyncset.done $0x0  }
0x5e: {  	[sflag:s0] =	ssyncadd.s32 $0xFFFFEC00  }
.LBB2_9:
0x5f: {  	s0 =	smul.u32 $0x60, s29  }
0x60: {  	s19 =	rddreg [dreg:$0xd]  }
0x61: {  	s0 =	sadd.s32 s19, s0  }
0x62: {  	s30 =	smul.u32 $0x5, s0;
	_ =	sdelay $0x1  }
0x63: {  	s31 =	sadd.s32 s7, s30  }
0x64: {  	[tilespmem:s12], [sflag:$0x3] =	stream.linear.gather [hbm4b:s31+s3], $0x28, $0x38;
	[tilespmem:$0x1EF80] =	vst v63  }
0x65: {  	s0 =	smul.u32 $0x280, s0;
	s30 =	sadd.s32 s8, s30  }
0x66: {  	[tilespmem:s13], [sflag:$0x3] =	stream.linear.gather [hbm4b:s30+s3], $0x28, $0x38;
	[tilespmem:$0x1EF80] =	vst v63  }
0x67: {  	s22 =	simm.s32 $0x2B00;
	s19 =	sadd.s32 s6, s0  }
0x68: {  	[tilespmem:s22], [sflag:$0x3] =	stream.linear.gather [hbm4b:s19+s3], $0x1400, $0x38;
	[tilespmem:$0x1EF80] =	vst v63  }
0x69: {  	s0 =	sadd.s32 s5, s0;
	s31 =	simm.s32 $0xA300  }
0x6a: {  	[tilespmem:s31], [sflag:$0x3] =	stream.linear.gather [hbm4b:s0+s3], $0x1400, $0x38;
	[tilespmem:$0x1EF80] =	vst v63  }
.LBB2_10:
0x6b: {  	_ =	swait.ge [sflag:s16], $0x1400  }
0x6c: {  	[sflag:s16] =	ssyncset.done $0x0  }
0x6d: {  	s30 =	simm.s32 $0x0;
	[sflag:s16] =	ssyncadd.s32 $0xFFFFEC00  }
0x6e: {  	v1 =	vld [tilespmem:s30+$0x300]  }
0x6f: {  	v8 =	vld [tilespmem:s30+$0x7B00]  }
0x70: {  	v13 =	vld [tilespmem:s30+$0x7B10]  }
0x71: {  	v7 =	vld [tilespmem:s30+$0x7B20]  }
0x72: {  	v6 =	vld [tilespmem:s30+$0x7B30]  }
0x73: {  	v5 =	vld [tilespmem:s30+$0x7B40]  }
0x74: {  	v4 =	vld [tilespmem:s30+$0x7B50]  }
0x75: {  	v3 =	vld [tilespmem:s30+$0x7B60]  }
0x76: {  	v2 =	vld [tilespmem:s30+$0x7B70]  }
0x77: {  	v14 =	vld [tilespmem:s30+$0x3F00]  }
0x78: {  	v15 =	vld [tilespmem:s30+$0x3F10]  }
0x79: {  	v12 =	vld [tilespmem:s30+$0x3F20]  }
0x7a: {  	v11 =	vld [tilespmem:s30+$0x3F30]  }
0x7b: {  	v10 =	vld [tilespmem:s30+$0x3F40]  }
0x7c: {  	v9 =	vld [tilespmem:s30+$0x3F50];
	v14 =	vadd.f32 v8, v14  }
0x7d: {  	s31 =	simm.s32 $0x200;
	v13 =	vadd.f32 v13, v15;
	v8 =	vld [tilespmem:s30+$0x3F60]  }
.LBB2_11:
0x7e: {  	s0 =	sshra.s32 s31, $0x2;
	p1 =	sne.s32 s31, $0x4E00;
	v14 =	vmax.f32 v14, $0.0e+00;
	v7 =	vadd.f32 v7, v12;
	v12 =	vld [tilespmem:s30+$0x3F70]  }
0x7f: {  	v15 =	vld [tilespmem:s0+$0x300];
	v14 =	vmul.f32 v14, v1;
	v13 =	vmax.f32 v13, $0.0e+00;
	v6 =	vadd.f32 v6, v11  }
0x80: {  	v16 =	vld [tilespmem:s0+$0x7B00];
	v11 =	vmul.f32 v13, v1;
	v7 =	vmax.f32 v7, $0.0e+00;
	v5 =	vadd.f32 v5, v10  }
0x81: {  	v13 =	vld [tilespmem:s0+$0x7B10];
	[tilespmem:s30+$0x3F00] =	vst v14;
	v10 =	vmul.f32 v7, v1;
	v6 =	vmax.f32 v6, $0.0e+00;
	v4 =	vadd.f32 v4, v9  }
0x82: {  	v7 =	vld [tilespmem:s0+$0x7B20];
	[tilespmem:s30+$0x3F10] =	vst v11;
	v9 =	vmul.f32 v6, v1;
	v5 =	vmax.f32 v5, $0.0e+00;
	v3 =	vadd.f32 v3, v8  }
0x83: {  	v6 =	vld [tilespmem:s0+$0x7B30];
	[tilespmem:s30+$0x3F20] =	vst v10;
	v8 =	vmul.f32 v5, v1;
	v4 =	vmax.f32 v4, $0.0e+00;
	v2 =	vadd.f32 v2, v12  }
0x84: {  	v5 =	vld [tilespmem:s0+$0x7B40];
	[tilespmem:s30+$0x3F30] =	vst v9;
	v9 =	vmul.f32 v4, v1;
	v3 =	vmax.f32 v3, $0.0e+00  }
0x85: {  	v4 =	vld [tilespmem:s0+$0x7B50];
	[tilespmem:s30+$0x3F40] =	vst v8;
	v8 =	vmul.f32 v3, v1;
	v2 =	vmax.f32 v2, $0.0e+00  }
0x86: {  	v3 =	vld [tilespmem:s0+$0x7B60];
	[tilespmem:s30+$0x3F50] =	vst v9;
	v9 =	vmul.f32 v2, v1;
	v1 =	vmov v15  }
0x87: {  	v2 =	vld [tilespmem:s0+$0x7B70];
	[tilespmem:s30+$0x3F60] =	vst v8  }
0x88: {  	v8 =	vld [tilespmem:s0+$0x3F00];
	[tilespmem:s30+$0x3F70] =	vst v9;
	s30 =	smov.u32 s0  }
0x89: {  	v15 =	vld [tilespmem:s30+$0x3F10]  }
.Ltmp5:
0x8a: {  	v12 =	vld [tilespmem:s30+$0x3F20];
	(pc) =	sbr.rel @p1 .LBB2_11-.Ltmp5, $4  }
0x8b: {  	v11 =	vld [tilespmem:s30+$0x3F30]  }
0x8c: {  	v10 =	vld [tilespmem:s30+$0x3F40]  }
0x8d: {  	v14 =	vadd.f32 v16, v8;
	v9 =	vld [tilespmem:s30+$0x3F50]  }
0x8e: {  	s31 =	sadd.s32 $0x200, s31;
	v13 =	vadd.f32 v13, v15;
	v8 =	vld [tilespmem:s30+$0x3F60]  }
0x8f: {  	v14 =	vmax.f32 v14, $0.0e+00;
	v7 =	vadd.f32 v7, v12;
	v62 =	vld [tilespmem:s30+$0x3F70]  }
0x90: {  	v14 =	vmul.f32 v14, v1;
	v13 =	vmax.f32 v13, $0.0e+00;
	v6 =	vadd.f32 v6, v11  }
0x91: {  	v63 =	vmul.f32 v13, v1;
	v7 =	vmax.f32 v7, $0.0e+00;
	v5 =	vadd.f32 v5, v10  }
0x92: {  	[tilespmem:s30+$0x3F00] =	vst v14;
	v7 =	vmul.f32 v7, v1;
	v6 =	vmax.f32 v6, $0.0e+00;
	v4 =	vadd.f32 v4, v9  }
0x93: {  	[tilespmem:s30+$0x3F10] =	vst v63;
	v6 =	vmul.f32 v6, v1;
	v5 =	vmax.f32 v5, $0.0e+00;
	v3 =	vadd.f32 v3, v8  }
0x94: {  	[tilespmem:s30+$0x3F20] =	vst v7;
	v5 =	vmul.f32 v5, v1;
	v4 =	vmax.f32 v4, $0.0e+00;
	v2 =	vadd.f32 v2, v62  }
0x95: {  	p1 =	seq.s32 s29, $0x53;
	[tilespmem:s30+$0x3F30] =	vst v6;
	v4 =	vmul.f32 v4, v1;
	v3 =	vmax.f32 v3, $0.0e+00  }
.Ltmp6:
0x96: {  	[tilespmem:s30+$0x3F40] =	vst v5;
	v3 =	vmul.f32 v3, v1;
	v2 =	vmax.f32 v2, $0.0e+00;
	(pc) =	sbr.rel @p1 .LBB2_18-.Ltmp6, $4  }
0x97: {  	[tilespmem:s30+$0x3F50] =	vst v4;
	v1 =	vmul.f32 v2, v1  }
0x98: {  	[tilespmem:s30+$0x3F60] =	vst v3  }
0x99: {  	[tilespmem:s30+$0x3F70] =	vst v1  }
0x9a: {  	[spmem:s2] =	stream.indirect.scatter.add.f32 [tilespmem:s25], [sflag:$0x7], $0x80, s28, s11, $0xb8;
	[tilespmem:$0x1EF80] =	vst v63  }
0x9b: {  	_ =	swait.ge [sflag:s18], $0x28  }
0x9c: {  	[sflag:s18] =	ssyncset.done $0x0  }
0x9d: {  	[sflag:s18] =	ssyncadd.s32 $0xFFFFFFD8  }
0x9e: {  	_ =	swait.ge [sflag:s18], $0x28  }
0x9f: {  	[sflag:s18] =	ssyncset.done $0x0  }
0xa0: {  	[sflag:s18] =	ssyncadd.s32 $0xFFFFFFD8  }
0xa1: {  	_ =	swait.ge [sflag:s18], $0x1400  }
0xa2: {  	[sflag:s18] =	ssyncset.done $0x0  }
0xa3: {  	[sflag:s18] =	ssyncadd.s32 $0xFFFFEC00  }
0xa4: {  	_ =	swait.ge [sflag:s18], $0x1400  }
0xa5: {  	[sflag:s18] =	ssyncset.done $0x0  }
0xa6: {  	s30 =	smul.u32 $0x60, s29;
	s0 =	simm.s32 $0x80;
	[sflag:s18] =	ssyncadd.s32 $0xFFFFEC00  }
0xa7: {  	[tilespmem:s24], [sflag:$0x5] =	stream.indirect.gather [hbm4b:s1+s11], $0x80, s0, s11, $0xb8;
	[tilespmem:$0x1EF80] =	vst v63  }
0xa8: {  	s0 =	sadd.s32 s20, s30  }
0xa9: {  	_ =	swait.ge [sflag:s17], $0x1400;
	s31 =	smul.u32 $0x5, s0  }
0xaa: {  	[sflag:s17] =	ssyncset.done $0x0  }
0xab: {  	s19 =	simm.s32 $0x0;
	[sflag:s17] =	ssyncadd.s32 $0xFFFFEC00;
	s22 =	sadd.s32 s7, s31  }
0xac: {  	[tilespmem:s19], [sflag:$0x1] =	stream.linear.gather [hbm4b:s22+s19], $0x28, $0x38;
	[tilespmem:$0x1EF80] =	vst v63  }
0xad: {  	s0 =	smul.u32 $0x280, s0;
	s22 =	sadd.s32 s8, s31  }
0xae: {  	[tilespmem:s28], [sflag:$0x1] =	stream.linear.gather [hbm4b:s22+s19], $0x28, $0x38;
	[tilespmem:$0x1EF80] =	vst v63  }
0xaf: {  	s31 =	simm.s32 $0x300;
	s22 =	sadd.s32 s6, s0  }
0xb0: {  	[tilespmem:s31], [sflag:$0x1] =	stream.linear.gather [hbm4b:s22+s19], $0x1400, $0x38;
	[tilespmem:$0x1EF80] =	vst v63  }
0xb1: {  	s0 =	sadd.s32 s5, s0;
	s22 =	simm.s32 $0x7B00  }
0xb2: {  	[tilespmem:s22], [sflag:$0x1] =	stream.linear.gather [hbm4b:s0+s19], $0x1400, $0x38;
	[tilespmem:$0x1EF80] =	vst v63  }
0xb3: {  	_ =	swait.ge [sflag:s10], $0x1400  }
0xb4: {  	[sflag:s10] =	ssyncset.done $0x0  }
0xb5: {  	s31 =	simm.s32 $0x0;
	[sflag:s10] =	ssyncadd.s32 $0xFFFFEC00  }
0xb6: {  	v1 =	vld [tilespmem:s31+$0x1700]  }
0xb7: {  	v8 =	vld [tilespmem:s31+$0x8F00]  }
0xb8: {  	v13 =	vld [tilespmem:s31+$0x8F10]  }
0xb9: {  	v7 =	vld [tilespmem:s31+$0x8F20]  }
0xba: {  	v6 =	vld [tilespmem:s31+$0x8F30]  }
0xbb: {  	v5 =	vld [tilespmem:s31+$0x8F40]  }
0xbc: {  	v4 =	vld [tilespmem:s31+$0x8F50]  }
0xbd: {  	v3 =	vld [tilespmem:s31+$0x8F60]  }
0xbe: {  	v2 =	vld [tilespmem:s31+$0x8F70]  }
0xbf: {  	v14 =	vld [tilespmem:s31+$0x5300]  }
0xc0: {  	v15 =	vld [tilespmem:s31+$0x5310]  }
0xc1: {  	v12 =	vld [tilespmem:s31+$0x5320]  }
0xc2: {  	v11 =	vld [tilespmem:s31+$0x5330]  }
0xc3: {  	v10 =	vld [tilespmem:s31+$0x5340]  }
0xc4: {  	v9 =	vld [tilespmem:s31+$0x5350];
	v14 =	vadd.f32 v8, v14  }
0xc5: {  	s0 =	simm.s32 $0x200;
	v13 =	vadd.f32 v13, v15;
	v8 =	vld [tilespmem:s31+$0x5360]  }
.LBB2_14:
0xc6: {  	s19 =	sshra.s32 s0, $0x2;
	p1 =	sne.s32 s0, $0x4E00;
	v14 =	vmax.f32 v14, $0.0e+00;
	v7 =	vadd.f32 v7, v12;
	v12 =	vld [tilespmem:s31+$0x5370]  }
0xc7: {  	v15 =	vld [tilespmem:s19+$0x1700];
	v14 =	vmul.f32 v14, v1;
	v13 =	vmax.f32 v13, $0.0e+00;
	v6 =	vadd.f32 v6, v11  }
0xc8: {  	v16 =	vld [tilespmem:s19+$0x8F00];
	v11 =	vmul.f32 v13, v1;
	v7 =	vmax.f32 v7, $0.0e+00;
	v5 =	vadd.f32 v5, v10  }
0xc9: {  	v13 =	vld [tilespmem:s19+$0x8F10];
	[tilespmem:s31+$0x5300] =	vst v14;
	v10 =	vmul.f32 v7, v1;
	v6 =	vmax.f32 v6, $0.0e+00;
	v4 =	vadd.f32 v4, v9  }
0xca: {  	v7 =	vld [tilespmem:s19+$0x8F20];
	[tilespmem:s31+$0x5310] =	vst v11;
	v9 =	vmul.f32 v6, v1;
	v5 =	vmax.f32 v5, $0.0e+00;
	v3 =	vadd.f32 v3, v8  }
0xcb: {  	v6 =	vld [tilespmem:s19+$0x8F30];
	[tilespmem:s31+$0x5320] =	vst v10;
	v8 =	vmul.f32 v5, v1;
	v4 =	vmax.f32 v4, $0.0e+00;
	v2 =	vadd.f32 v2, v12  }
0xcc: {  	v5 =	vld [tilespmem:s19+$0x8F40];
	[tilespmem:s31+$0x5330] =	vst v9;
	v9 =	vmul.f32 v4, v1;
	v3 =	vmax.f32 v3, $0.0e+00  }
0xcd: {  	v4 =	vld [tilespmem:s19+$0x8F50];
	[tilespmem:s31+$0x5340] =	vst v8;
	v8 =	vmul.f32 v3, v1;
	v2 =	vmax.f32 v2, $0.0e+00  }
0xce: {  	v3 =	vld [tilespmem:s19+$0x8F60];
	[tilespmem:s31+$0x5350] =	vst v9;
	v9 =	vmul.f32 v2, v1;
	v1 =	vmov v15  }
0xcf: {  	v2 =	vld [tilespmem:s19+$0x8F70];
	[tilespmem:s31+$0x5360] =	vst v8  }
0xd0: {  	v8 =	vld [tilespmem:s19+$0x5300];
	[tilespmem:s31+$0x5370] =	vst v9;
	s31 =	smov.u32 s19  }
0xd1: {  	v15 =	vld [tilespmem:s31+$0x5310]  }
.Ltmp7:
0xd2: {  	v12 =	vld [tilespmem:s31+$0x5320];
	(pc) =	sbr.rel @p1 .LBB2_14-.Ltmp7, $4  }
0xd3: {  	v11 =	vld [tilespmem:s31+$0x5330]  }
0xd4: {  	v10 =	vld [tilespmem:s31+$0x5340]  }
0xd5: {  	v14 =	vadd.f32 v16, v8;
	v9 =	vld [tilespmem:s31+$0x5350]  }
0xd6: {  	s0 =	sadd.s32 $0x200, s0;
	v13 =	vadd.f32 v13, v15;
	v8 =	vld [tilespmem:s31+$0x5360]  }
0xd7: {  	v14 =	vmax.f32 v14, $0.0e+00;
	v7 =	vadd.f32 v7, v12;
	v12 =	vld [tilespmem:s31+$0x5370]  }
0xd8: {  	v14 =	vmul.f32 v14, v1;
	v13 =	vmax.f32 v13, $0.0e+00;
	v6 =	vadd.f32 v6, v11  }
0xd9: {  	v11 =	vmul.f32 v13, v1;
	v7 =	vmax.f32 v7, $0.0e+00;
	v5 =	vadd.f32 v5, v10  }
0xda: {  	[tilespmem:s31+$0x5300] =	vst v14;
	v7 =	vmul.f32 v7, v1;
	v6 =	vmax.f32 v6, $0.0e+00;
	v4 =	vadd.f32 v4, v9  }
0xdb: {  	[tilespmem:s31+$0x5310] =	vst v11;
	v6 =	vmul.f32 v6, v1;
	v5 =	vmax.f32 v5, $0.0e+00;
	v3 =	vadd.f32 v3, v8  }
0xdc: {  	[tilespmem:s31+$0x5320] =	vst v7;
	v5 =	vmul.f32 v5, v1;
	v4 =	vmax.f32 v4, $0.0e+00;
	v2 =	vadd.f32 v2, v12  }
0xdd: {  	[tilespmem:s31+$0x5330] =	vst v6;
	v4 =	vmul.f32 v4, v1;
	v3 =	vmax.f32 v3, $0.0e+00  }
0xde: {  	[tilespmem:s31+$0x5340] =	vst v5;
	v3 =	vmul.f32 v3, v1;
	v2 =	vmax.f32 v2, $0.0e+00  }
0xdf: {  	[tilespmem:s31+$0x5350] =	vst v4;
	v1 =	vmul.f32 v2, v1  }
0xe0: {  	[tilespmem:s31+$0x5360] =	vst v3  }
0xe1: {  	s0 =	simm.s32 $0x200;
	[tilespmem:s31+$0x5370] =	vst v1  }
0xe2: {  	[spmem:s2] =	stream.indirect.scatter.add.f32 [tilespmem:s24], [sflag:$0x8], $0x80, s0, s11, $0xb8;
	[tilespmem:$0x1EF80] =	vst v63  }
0xe3: {  	_ =	swait.ge [sflag:s23], $0x28  }
0xe4: {  	[sflag:s23] =	ssyncset.done $0x0  }
0xe5: {  	[sflag:s23] =	ssyncadd.s32 $0xFFFFFFD8  }
0xe6: {  	_ =	swait.ge [sflag:s23], $0x28  }
0xe7: {  	[sflag:s23] =	ssyncset.done $0x0  }
0xe8: {  	[sflag:s23] =	ssyncadd.s32 $0xFFFFFFD8  }
0xe9: {  	_ =	swait.ge [sflag:s23], $0x1400  }
0xea: {  	[sflag:s23] =	ssyncset.done $0x0  }
0xeb: {  	[sflag:s23] =	ssyncadd.s32 $0xFFFFEC00  }
0xec: {  	_ =	swait.ge [sflag:s23], $0x1400  }
0xed: {  	p1 =	sgt.u32 s29, $0x51;
	[sflag:s23] =	ssyncset.done $0x0  }
0xee: {  	s19 =	sadd.s32 @!p1 s21, s30;
	s0 =	simm.s32 @!p1 $0x8;
	[sflag:s23] =	ssyncadd.s32 $0xFFFFEC00  }
0xef: {  	[tilespmem:s14], [sflag:$0x6] =	stream.indirect.gather [hbm4b:s1+s11], $0x80, s12, s11, $0xb8;
	[tilespmem:$0x1EF80] =	vst v63  }
0xf0: {  	s22 =	smul.u32 @!p1 $0x5, s19;
	_ =	swait.ge @!p1 [sflag:s0], $0x1400  }
0xf1: {  	s30 =	simm.s32 @!p1 $0x0;
	[sflag:s0] =	ssyncset.done @!p1 $0x0  }
0xf2: {  	s31 =	simm.s32 @!p1 $0x80;
	[sflag:s0] =	ssyncadd.s32 @!p1 $0xFFFFEC00;
	s0 =	sadd.s32 @!p1 s7, s22  }
0xf3: {  	[tilespmem:s31], [sflag:$0x2] =	stream.linear.gather @!p1 [hbm4b:s0+s30], $0x28, $0x38;
	[tilespmem:$0x1EF80] =	vst v63  }
0xf4: {  	s19 =	smul.u32 @!p1 $0x280, s19;
	s0 =	sadd.s32 @!p1 s8, s22;
	s22 =	simm.s32 @!p1 $0x200  }
0xf5: {  	[tilespmem:s22], [sflag:$0x2] =	stream.linear.gather @!p1 [hbm4b:s0+s30], $0x28, $0x38;
	[tilespmem:$0x1EF80] =	vst v63  }
0xf6: {  	s0 =	sadd.s32 @!p1 s6, s19;
	s22 =	simm.s32 @!p1 $0x1700  }
0xf7: {  	[tilespmem:s22], [sflag:$0x2] =	stream.linear.gather @!p1 [hbm4b:s0+s30], $0x1400, $0x38;
	[tilespmem:$0x1EF80] =	vst v63  }
0xf8: {  	s0 =	sadd.s32 @!p1 s5, s19;
	s19 =	simm.s32 @!p1 $0x8F00  }
0xf9: {  	[tilespmem:s19], [sflag:$0x2] =	stream.linear.gather @!p1 [hbm4b:s0+s30], $0x1400, $0x38;
	[tilespmem:$0x1EF80] =	vst v63  }
0xfa: {  	_ =	swait.ge [sflag:s15], $0x1400  }
0xfb: {  	[sflag:s15] =	ssyncset.done $0x0  }
0xfc: {  	s30 =	simm.s32 $0x0;
	[sflag:s15] =	ssyncadd.s32 $0xFFFFEC00  }
0xfd: {  	v1 =	vld [tilespmem:s30+$0x2B00]  }
0xfe: {  	v8 =	vld [tilespmem:s30+$0xA300]  }
0xff: {  	v13 =	vld [tilespmem:s30+$0xA310]  }
0x100: {  	v7 =	vld [tilespmem:s30+$0xA320]  }
0x101: {  	v6 =	vld [tilespmem:s30+$0xA330]  }
0x102: {  	v5 =	vld [tilespmem:s30+$0xA340]  }
0x103: {  	v4 =	vld [tilespmem:s30+$0xA350]  }
0x104: {  	v3 =	vld [tilespmem:s30+$0xA360]  }
0x105: {  	v2 =	vld [tilespmem:s30+$0xA370]  }
0x106: {  	v14 =	vld [tilespmem:s30+$0x6700]  }
0x107: {  	v15 =	vld [tilespmem:s30+$0x6710]  }
0x108: {  	v12 =	vld [tilespmem:s30+$0x6720]  }
0x109: {  	v11 =	vld [tilespmem:s30+$0x6730]  }
0x10a: {  	v10 =	vld [tilespmem:s30+$0x6740]  }
0x10b: {  	v9 =	vld [tilespmem:s30+$0x6750];
	v14 =	vadd.f32 v8, v14  }
0x10c: {  	s0 =	simm.s32 $0x200;
	v13 =	vadd.f32 v13, v15;
	v8 =	vld [tilespmem:s30+$0x6760]  }
.LBB2_16:
0x10d: {  	s19 =	sshra.s32 s0, $0x2;
	p1 =	sne.s32 s0, $0x4E00;
	v14 =	vmax.f32 v14, $0.0e+00;
	v7 =	vadd.f32 v7, v12;
	v12 =	vld [tilespmem:s30+$0x6770]  }
0x10e: {  	v15 =	vld [tilespmem:s19+$0x2B00];
	v14 =	vmul.f32 v14, v1;
	v13 =	vmax.f32 v13, $0.0e+00;
	v6 =	vadd.f32 v6, v11  }
0x10f: {  	v16 =	vld [tilespmem:s19+$0xA300];
	v11 =	vmul.f32 v13, v1;
	v7 =	vmax.f32 v7, $0.0e+00;
	v5 =	vadd.f32 v5, v10  }
0x110: {  	v13 =	vld [tilespmem:s19+$0xA310];
	[tilespmem:s30+$0x6700] =	vst v14;
	v10 =	vmul.f32 v7, v1;
	v6 =	vmax.f32 v6, $0.0e+00;
	v4 =	vadd.f32 v4, v9  }
0x111: {  	v7 =	vld [tilespmem:s19+$0xA320];
	[tilespmem:s30+$0x6710] =	vst v11;
	v9 =	vmul.f32 v6, v1;
	v5 =	vmax.f32 v5, $0.0e+00;
	v3 =	vadd.f32 v3, v8  }
0x112: {  	v6 =	vld [tilespmem:s19+$0xA330];
	[tilespmem:s30+$0x6720] =	vst v10;
	v8 =	vmul.f32 v5, v1;
	v4 =	vmax.f32 v4, $0.0e+00;
	v2 =	vadd.f32 v2, v12  }
0x113: {  	v5 =	vld [tilespmem:s19+$0xA340];
	[tilespmem:s30+$0x6730] =	vst v9;
	v9 =	vmul.f32 v4, v1;
	v3 =	vmax.f32 v3, $0.0e+00  }
0x114: {  	v4 =	vld [tilespmem:s19+$0xA350];
	[tilespmem:s30+$0x6740] =	vst v8;
	v8 =	vmul.f32 v3, v1;
	v2 =	vmax.f32 v2, $0.0e+00  }
0x115: {  	v3 =	vld [tilespmem:s19+$0xA360];
	[tilespmem:s30+$0x6750] =	vst v9;
	v9 =	vmul.f32 v2, v1;
	v1 =	vmov v15  }
0x116: {  	v2 =	vld [tilespmem:s19+$0xA370];
	[tilespmem:s30+$0x6760] =	vst v8  }
0x117: {  	v8 =	vld [tilespmem:s19+$0x6700];
	[tilespmem:s30+$0x6770] =	vst v9;
	s30 =	smov.u32 s19  }
0x118: {  	v15 =	vld [tilespmem:s30+$0x6710]  }
.Ltmp8:
0x119: {  	v12 =	vld [tilespmem:s30+$0x6720];
	(pc) =	sbr.rel @p1 .LBB2_16-.Ltmp8, $4  }
0x11a: {  	v11 =	vld [tilespmem:s30+$0x6730]  }
0x11b: {  	v10 =	vld [tilespmem:s30+$0x6740]  }
0x11c: {  	v14 =	vadd.f32 v16, v8;
	v9 =	vld [tilespmem:s30+$0x6750]  }
0x11d: {  	s0 =	sadd.s32 $0x200, s0;
	v13 =	vadd.f32 v13, v15;
	v8 =	vld [tilespmem:s30+$0x6760]  }
0x11e: {  	v14 =	vmax.f32 v14, $0.0e+00;
	v7 =	vadd.f32 v7, v12;
	v62 =	vld [tilespmem:s30+$0x6770]  }
0x11f: {  	v14 =	vmul.f32 v14, v1;
	v13 =	vmax.f32 v13, $0.0e+00;
	v6 =	vadd.f32 v6, v11  }
0x120: {  	v63 =	vmul.f32 v13, v1;
	v7 =	vmax.f32 v7, $0.0e+00;
	v5 =	vadd.f32 v5, v10  }
0x121: {  	[tilespmem:s30+$0x6700] =	vst v14;
	v7 =	vmul.f32 v7, v1;
	v6 =	vmax.f32 v6, $0.0e+00;
	v4 =	vadd.f32 v4, v9  }
0x122: {  	[tilespmem:s30+$0x6710] =	vst v63;
	v6 =	vmul.f32 v6, v1;
	v5 =	vmax.f32 v5, $0.0e+00;
	v3 =	vadd.f32 v3, v8  }
0x123: {  	[tilespmem:s30+$0x6720] =	vst v7;
	v5 =	vmul.f32 v5, v1;
	v4 =	vmax.f32 v4, $0.0e+00;
	v2 =	vadd.f32 v2, v62  }
0x124: {  	[tilespmem:s30+$0x6730] =	vst v6;
	v4 =	vmul.f32 v4, v1;
	v3 =	vmax.f32 v3, $0.0e+00  }
0x125: {  	[tilespmem:s30+$0x6740] =	vst v5;
	v3 =	vmul.f32 v3, v1;
	v2 =	vmax.f32 v2, $0.0e+00  }
0x126: {  	[tilespmem:s30+$0x6750] =	vst v4;
	v1 =	vmul.f32 v2, v1  }
0x127: {  	[tilespmem:s30+$0x6760] =	vst v3  }
0x128: {  	[tilespmem:s30+$0x6770] =	vst v1  }
0x129: {  	[spmem:s2] =	stream.indirect.scatter.add.f32 [tilespmem:s14], [sflag:$0x9], $0x80, s13, s11, $0xb8;
	[tilespmem:$0x1EF80] =	vst v63  }
0x12a: {  	_ =	swait.ge [sflag:s4], $0x28  }
0x12b: {  	[sflag:s4] =	ssyncset.done $0x0  }
0x12c: {  	[sflag:s4] =	ssyncadd.s32 $0xFFFFFFD8  }
0x12d: {  	_ =	swait.ge [sflag:s4], $0x28  }
0x12e: {  	[sflag:s4] =	ssyncset.done $0x0  }
0x12f: {  	[sflag:s4] =	ssyncadd.s32 $0xFFFFFFD8  }
0x130: {  	s29 =	sadd.s32 $0x1, s29;
	_ =	swait.ge [sflag:s4], $0x1400  }
0x131: {  	p1 =	sne.s32 s29, $0x54;
	[sflag:s4] =	ssyncset.done $0x0  }
.Ltmp9:
0x132: {  	[sflag:s4] =	ssyncadd.s32 $0xFFFFEC00;
	(pc) =	sbr.rel @p1 .LBB2_6-.Ltmp9, $4  }
0x133: {  	_ =	swait.ge [sflag:s4], $0x1400  }
0x134: {  	[sflag:s4] =	ssyncset.done $0x0  }
0x135: {  	[sflag:s4] =	ssyncadd.s32 $0xFFFFEC00  }
0x136: {  	[tilespmem:s25], [sflag:$0x4] =	stream.indirect.gather [hbm4b:s1+s11], $0x80, s3, s11, $0xb8;
	[tilespmem:$0x1EF80] =	vst v63  }
.LBB2_18:
0x137: {  	_ =	swait.ge [sflag:s17], $0x1400  }
0x138: {  	[sflag:s17] =	ssyncset.done $0x0  }
0x139: {  	s0 =	simm.s32 $0x8;
	[sflag:s17] =	ssyncadd.s32 $0xFFFFEC00  }
0x13a: {  	_ =	swait.ge [sflag:s0], $0x1400  }
0x13b: {  	[sflag:s0] =	ssyncset.done $0x0  }
0x13c: {  	s19 =	simm.s32 $0x9;
	[sflag:s0] =	ssyncadd.s32 $0xFFFFEC00  }
0x13d: {  	_ =	swait.ge [sflag:s19], $0x1400  }
0x13e: {  	[sflag:s19] =	ssyncset.done $0x0  }
0x13f: {  	[sflag:s19] =	ssyncadd.s32 $0xFFFFEC00  }
0x140: {  	s22 =	stileid.u32;
	[bflag:$0x0] =	sbarrier.arrive $0xFFFF  }
0x141: {  	s0 =	sshll.u32 s22, $0x6;
	s30 =	rddreg [dreg:$0x10]  }
.Ltmp10:
0x142: {  	s31 =	rddreg [dreg:$0xf];
	s19 =	sshrl.u32 s30, $0x3;
	(pc) =	sbr.rel @!p0 .LBB2_20-.Ltmp10, $4  }
0x143: {  	s0 =	sor.u32 $0x1C0A, s0;
	s22 =	sshrl.u32 s31, $0x3;
	s19 =	sadd.s32 s9, s19  }
0x144: {  	[hbm:s19], [sflag:s0] =	dma.local [spmem:s22], $0x280  }
0x145: {  	s19 =	rddreg [dreg:$0x4]  }
0x146: {  	s30 =	sadd.s32 $0x14000, s30;
	s29 =	sadd.s32 $0xFFFFFFFF, s19  }
.LBB2_19:
0x147: {  	_ =	swait.ge [sflag:s26], $0x280  }
0x148: {  	s31 =	sadd.s32 $0x14000, s31;
	s19 =	sshrl.u32 s30, $0x3;
	p0 =	sne.s32 s29, $0x1  }
.Ltmp11:
0x149: {  	s22 =	sshrl.u32 s31, $0x3;
	[sflag:s26] =	ssyncset.done $0x0;
	(pc) =	sbr.rel @p0 .LBB2_19-.Ltmp11, $4  }
0x14a: {  	s19 =	sadd.s32 s9, s19;
	[sflag:s26] =	ssyncadd.s32 $0xFFFFFD80  }
0x14b: {  	[hbm:s19], [sflag:s0] =	dma.local [spmem:s22], $0x280  }
0x14c: {  	s29 =	sadd.s32 $0xFFFFFFFF, s29  }
0x14d: {  	s30 =	sadd.s32 $0x14000, s30  }
.LBB2_20:
0x14e: {  	_ =	swait.ge [sflag:s26], $0x280  }
0x14f: {  	s19 =	rddreg [dreg:$0x11]  }
0x150: {  	s0 =	rddreg [dreg:$0xe];
	s19 =	sadd.s32 $0x1, s19  }
0x151: {  	p0 =	sne.s32 s19, s0  }
.Ltmp12:
0x152: {  	_ = 	snop;
	(pc) =	sbr.rel @p0 .LBB2_1-.Ltmp12, $3  }
0x153: {  	_ =	sdelay $0x1  }
0x154: {  	[sflag:s26] =	ssyncset.done $0x0  }
0x155: {  	[sflag:s26] =	ssyncadd.s32 $0xFFFFFD80  }
0x156: {  	_ =	sfence.sel $0x180000  }
0x157: {  	[bflag:$0x0] =	sbarrier.arrive $0xFFFF  }
0x158: {  	_ =	strace $0x90000047  }
0x159: {  	s0 =	stileid.u32;
	[bflag:$0x2] =	sbarrier.arrive $0xFFFF  }
0x15a: {  	p0 =	sne.s32 s0, $0x0;
	s0 =	rddreg [dreg:$0x3]  }
0x15b: {  	s0 =	sadd.s32 @!p0 $0x100000, s0  }
0x15c: {  	[sflag:s0] =	ssyncadd.tile.s32 @!p0 $0x1;
	_ =	shalt  }
.Lfunc_end2:
_tile_overlayer_lowered:
.L_overlay_start_2:
0x15d: {  	(tag) =	ssettag $0x2  }
0x15e: {  	s0 =	rddreg [dreg:$0x0];
	s2 =	stileid.u32  }
0x15f: {  	s1 =	rddreg [dreg:$0x1];
	p0 =	sne.s32 s2, $0x0  }
0x160: {  	s3 =	rddreg [dreg:$0x2];
	[bflag:$0x3] =	sbarrier.arrive $0xFFFF;
	s2 =	simm.s32 @!p0 $0x1C0A  }
0x161: {  	[timem:s3], [sflag:s2] =	dma.local @!p0 [hbm:s0], s1  }
0x162: {  	s0 =	simm.s32 @!p0 $0xA  }
0x163: {  	_ =	swait.ge @!p0 [sflag:s0], s1  }
0x164: {  	s1 =	ssub.s32 @!p0 $0x0, s1;
	[sflag:s0] =	ssyncset.done @!p0 $0x0  }
0x165: {  	[sflag:s0] =	ssyncadd.s32 @!p0 s1  }
0x166: {  	[bflag:$0x3] =	sbarrier.arrive $0xFFFF  }
0x167: {  	_ =	shalt  }

</sc_bundles>
